<compile_context>
chip_gen: v7x
topology: tpu7x:2x2x1
jax: 0.10.2.dev20260603
libtpu: 0.0.44.dev20260713+nightly
codegen_flags: <defaults>
</compile_context>

<pallas_src>
import functools

import jax
import jax.numpy as jnp
from jax import lax
from jax.experimental import pallas as pl
from jax.experimental.pallas import tpu as pltpu
from jax.experimental.pallas import tpu_sc as plsc

_NC = 2
_NS = 16
_CHUNK = 128
_D = 128
_SPLIT0 = 0.60


def _sc_aggregate(x_hbm, src, dst, zeros_hbm):
    n_pad = x_hbm.shape[0]
    e_pad = src.shape[0] - _CHUNK
    tot = e_pad // (_NS * _CHUNK)
    cpt0 = int(tot * _SPLIT0 + 0.5)
    cpt1 = tot - cpt0
    rpt = n_pad // _NS

    mesh = plsc.VectorSubcoreMesh(core_axis_name="c", subcore_axis_name="s")

    @functools.partial(
        pl.kernel,
        out_type=jax.ShapeDtypeStruct((_NC, n_pad, _D), jnp.float32),
        mesh=mesh,
        scratch_types=[
            pltpu.VMEM((_CHUNK,), jnp.int32),
            pltpu.VMEM((_CHUNK,), jnp.int32),
            pltpu.VMEM((_CHUNK, _D), jnp.float32),
            pltpu.VMEM_SHARED((n_pad, _D), jnp.float32),
            pltpu.SemaphoreType.DMA,
            pltpu.SemaphoreType.DMA,
        ],
    )
    def agg_kernel(x_h, src_h, dst_h, z_h, out_h, sidx, didx, rows, acc, sem,
                   ssem):
        cid = lax.axis_index("c")
        sid = lax.axis_index("s")
        r0 = sid * rpt
        cpt = jnp.where(cid == 0, cpt0, cpt1)
        ebase = jnp.where(cid == 0, sid * cpt0,
                          _NS * cpt0 + sid * cpt1) * _CHUNK
        dummy = pl.multiple_of(e_pad, _CHUNK)
        pltpu.sync_copy(z_h.at[pl.ds(r0, rpt)], acc.at[pl.ds(r0, rpt)])
        plsc.subcore_barrier()
        pltpu.sync_copy(dst_h.at[pl.ds(dummy, _CHUNK)], didx)
        pltpu.async_copy(rows, acc.at[didx], ssem, add=True)

        def body(c, carry):
            off = pl.multiple_of(ebase + c * _CHUNK, _CHUNK)
            pltpu.sync_copy(src_h.at[pl.ds(off, _CHUNK)], sidx)
            pltpu.make_async_copy(rows, acc.at[didx], ssem).wait()
            g = pltpu.async_copy(x_h.at[sidx], rows, sem)
            pltpu.sync_copy(dst_h.at[pl.ds(off, _CHUNK)], didx)
            g.wait()
            pltpu.async_copy(rows, acc.at[didx], ssem, add=True)
            return carry

        lax.fori_loop(0, cpt, body, 0)
        pltpu.make_async_copy(rows, acc.at[didx], ssem).wait()
        plsc.subcore_barrier()
        pltpu.sync_copy(acc.at[pl.ds(r0, rpt)], out_h.at[cid, pl.ds(r0, rpt)])

    return agg_kernel(x_hbm, src, dst, zeros_hbm)


def _mlp(parts, x, eps, W1, b1, W2, b2):
    n_pad = x.shape[0]
    blk = 1024
    eps_arr = jnp.reshape(eps, (1, 1)).astype(jnp.float32)

    def body(eps_ref, p_ref, x_ref, w1_ref, b1_ref, w2_ref, b2_ref, o_ref):
        a = p_ref[0] + p_ref[1] + (1.0 + eps_ref[0, 0]) * x_ref[...]
        h = jnp.dot(a, w1_ref[...], preferred_element_type=jnp.float32) + b1_ref[...]
        h = jnp.maximum(h, 0.0)
        o_ref[...] = jnp.dot(h, w2_ref[...], preferred_element_type=jnp.float32) + b2_ref[...]

    return pl.pallas_call(
        body,
        grid=(n_pad // blk,),
        in_specs=[
            pl.BlockSpec(memory_space=pltpu.SMEM),
            pl.BlockSpec((_NC, blk, _D), lambda i: (0, i, 0)),
            pl.BlockSpec((blk, _D), lambda i: (i, 0)),
            pl.BlockSpec((_D, _D), lambda i: (0, 0)),
            pl.BlockSpec((1, _D), lambda i: (0, 0)),
            pl.BlockSpec((_D, _D), lambda i: (0, 0)),
            pl.BlockSpec((1, _D), lambda i: (0, 0)),
        ],
        out_specs=pl.BlockSpec((blk, _D), lambda i: (i, 0)),
        out_shape=jax.ShapeDtypeStruct((n_pad, _D), jnp.float32),
    )(eps_arr, parts, x, W1, b1.reshape(1, _D), W2, b2.reshape(1, _D))


def _mlp_final(parts, x2, eps, W1, b1, W2, b2, x0, h1, Wf, bf):
    n_pad = x2.shape[0]
    blk = 1024
    eps_arr = jnp.reshape(eps, (1, 1)).astype(jnp.float32)

    def body(eps_ref, p_ref, x2_ref, w1_ref, b1_ref, w2_ref, b2_ref,
             x0_ref, h1_ref, wf_ref, bf_ref, o_ref):
        a = p_ref[0] + p_ref[1] + (1.0 + eps_ref[0, 0]) * x2_ref[...]
        t = jnp.dot(a, w1_ref[...], preferred_element_type=jnp.float32) + b1_ref[...]
        t = jnp.maximum(t, 0.0)
        h3 = jnp.dot(t, w2_ref[...], preferred_element_type=jnp.float32) + b2_ref[...]
        acc = jnp.dot(x0_ref[...], wf_ref[0:_D], preferred_element_type=jnp.float32)
        acc += jnp.dot(h1_ref[...], wf_ref[_D:2 * _D], preferred_element_type=jnp.float32)
        acc += jnp.dot(x2_ref[...], wf_ref[2 * _D:3 * _D], preferred_element_type=jnp.float32)
        acc += jnp.dot(h3, wf_ref[3 * _D:4 * _D], preferred_element_type=jnp.float32)
        o_ref[...] = acc + bf_ref[...]

    return pl.pallas_call(
        body,
        grid=(n_pad // blk,),
        in_specs=[
            pl.BlockSpec(memory_space=pltpu.SMEM),
            pl.BlockSpec((_NC, blk, _D), lambda i: (0, i, 0)),
            pl.BlockSpec((blk, _D), lambda i: (i, 0)),
            pl.BlockSpec((_D, _D), lambda i: (0, 0)),
            pl.BlockSpec((1, _D), lambda i: (0, 0)),
            pl.BlockSpec((_D, _D), lambda i: (0, 0)),
            pl.BlockSpec((1, _D), lambda i: (0, 0)),
            pl.BlockSpec((blk, _D), lambda i: (i, 0)),
            pl.BlockSpec((blk, _D), lambda i: (i, 0)),
            pl.BlockSpec((4 * _D, _D), lambda i: (0, 0)),
            pl.BlockSpec((1, _D), lambda i: (0, 0)),
        ],
        out_specs=pl.BlockSpec((blk, _D), lambda i: (i, 0)),
        out_shape=jax.ShapeDtypeStruct((n_pad, _D), jnp.float32),
    )(eps_arr, parts, x2, W1, b1.reshape(1, _D), W2, b2.reshape(1, _D),
      x0, h1, Wf, bf.reshape(1, _D))


def kernel(x, edge_index, eps0, W1_0, b1_0, W2_0, b2_0, eps1, W1_1, b1_1,
           W2_1, b2_1, eps2, W1_2, b1_2, W2_2, b2_2, Wf, bf):
    n = x.shape[0]
    e = edge_index.shape[1]
    blk = 1024
    n_pad = -(-(n + 1) // blk) * blk
    egrain = _NS * _CHUNK
    e_pad = -(-e // egrain) * egrain

    src = edge_index[0].astype(jnp.int32)
    dst = edge_index[1].astype(jnp.int32)
    pad_idx = jnp.full((e_pad - e + _CHUNK,), n, dtype=jnp.int32)
    src_p = jnp.concatenate([src, pad_idx])
    dst_p = jnp.concatenate([dst, pad_idx])

    x_pad = jnp.concatenate([x, jnp.zeros((n_pad - n, _D), jnp.float32)])
    zeros_hbm = jnp.zeros((n_pad, _D), jnp.float32)

    parts1 = _sc_aggregate(x_pad, src_p, dst_p, zeros_hbm)
    h1 = _mlp(parts1, x_pad, eps0, W1_0, b1_0, W2_0, b2_0)
    parts2 = _sc_aggregate(h1, src_p, dst_p, zeros_hbm)
    h2 = _mlp(parts2, h1, eps1, W1_1, b1_1, W2_1, b2_1)
    parts3 = _sc_aggregate(h2, src_p, dst_p, zeros_hbm)
    out_pad = _mlp_final(parts3, h2, eps2, W1_2, b1_2, W2_2, b2_2,
                         x_pad, h1, Wf, bf)
    return out_pad[:n]

# --- scband reference (transcript-rebuilt; emitter-appended) ---
"""Pipeline reference for scband-gin-1520418423245 (READ-ONLY COPY).

The authoritative reference and input builder live on the scoring server;
editing this copy changes nothing except your own understanding.
"""

import jax, jax.numpy as jnp
import numpy as np

N_NODES = 10000
N_EDGES = 320000
D_IN = 128
D_OUT = 128
NUM_LAYERS = 3


def _glorot(key, shape):
    fan_in, fan_out = shape[0], shape[1]
    limit = float(np.sqrt(6.0 / (fan_in + fan_out)))
    return jax.random.uniform(key, shape, dtype=jnp.float32, minval=-limit, maxval=limit)


def setup_inputs(seed: int = 0) -> dict:
    key = jax.random.key(seed)
    keys = jax.random.split(key, 32)
    inp = {}
    inp['x'] = jax.random.normal(keys[0], (N_NODES, D_IN), dtype=jnp.float32)
    inp['edge_index'] = jax.random.randint(keys[1], (2, N_EDGES), 0, N_NODES, dtype=jnp.int64)
    ki = 2
    d_in = D_IN
    for l in range(NUM_LAYERS):
        inp[f'eps{l}'] = jnp.zeros((), dtype=jnp.float32)
        inp[f'W1_{l}'] = _glorot(keys[ki], (d_in, D_OUT)); ki += 1
        inp[f'b1_{l}'] = jnp.zeros((D_OUT,), dtype=jnp.float32)
        inp[f'W2_{l}'] = _glorot(keys[ki], (D_OUT, D_OUT)); ki += 1
        inp[f'b2_{l}'] = jnp.zeros((D_OUT,), dtype=jnp.float32)
        d_in = D_OUT
    cat_dim = D_IN + NUM_LAYERS * D_OUT
    inp['Wf'] = _glorot(keys[ki], (cat_dim, D_OUT)); ki += 1
    inp['bf'] = jnp.zeros((D_OUT,), dtype=jnp.float32)
    return inp


def _gin_conv(x, src, dst, eps, W1, b1, W2, b2):
    # sum aggregation of neighbor messages (scatter-add), GINConv train_eps
    agg = jnp.zeros((x.shape[0], x.shape[1]), dtype=x.dtype).at[dst].add(x[src])
    h = agg + (1.0 + eps) * x
    # MLP: Lin -> ReLU -> Lin (batch_norm=False, dropout=0, eval mode)
    h = h @ W1 + b1
    h = jax.nn.relu(h)
    h = h @ W2 + b2
    return h


def reference(x, edge_index, eps0, W1_0, b1_0, W2_0, b2_0, eps1, W1_1, b1_1, W2_1, b2_1, eps2, W1_2, b1_2, W2_2, b2_2, Wf, bf):
    src = edge_index[0]
    dst = edge_index[1]
    xs = [x]
    params = [(eps0, W1_0, b1_0, W2_0, b2_0), (eps1, W1_1, b1_1, W2_1, b2_1), (eps2, W1_2, b1_2, W2_2, b2_2)]
    for (eps, W1, b1, W2, b2) in params:
        xs.append(_gin_conv(xs[-1], src, dst, eps, W1, b1, W2, b2))
    h = jnp.concatenate(xs, axis=-1)  # cat=True
    out = h @ Wf + bf  # lin=True
    return out

if __name__ == "__main__":
    import jax
    _d = setup_inputs()
    print(jax.jit(kernel)(*tuple(_d.values())))

</pallas_src>

<mosaic_0001>
#map = affine_map<(d0, d1) -> (0, 0)>
#map1 = affine_map<(d0, d1) -> (0)>
#map2 = affine_map<(d0, d1) -> (0, 0, 0)>
module attributes {stable_mosaic.version = 14 : i64} {
  func.func @agg_kernel(%arg0: i32, %arg1: i32, %arg2: memref<10240x128xf32, #tpu.memory_space<hbm>>, %arg3: memref<321664xi32, #tpu.memory_space<hbm>>, %arg4: memref<321664xi32, #tpu.memory_space<hbm>>, %arg5: memref<10240x128xf32, #tpu.memory_space<hbm>>, %arg6: memref<2x10240x128xf32, #tpu.memory_space<hbm>>, %arg7: memref<128xi32, #tpu.memory_space<vmem>>, %arg8: memref<128xi32, #tpu.memory_space<vmem>>, %arg9: memref<128x128xf32, #tpu.memory_space<vmem>>, %arg10: memref<10240x128xf32, #tpu.memory_space<vmem_shared>>, %arg11: memref<!tpu.dma_semaphore, #tpu.memory_space<semaphore_mem>>, %arg12: memref<!tpu.dma_semaphore, #tpu.memory_space<semaphore_mem>>) attributes {dimension_semantics = [#tpu.dimension_semantics<core_parallel>, #tpu.dimension_semantics<subcore_parallel>], iteration_bounds = array<i64: 2, 16>, scalar_prefetch = 0 : i64, scratch_operands = 6 : i64, tpu.core_type = #tpu.core_type<sc_vector_subcore>, window_params = [{transform_indices = #map}, {transform_indices = #map1}, {transform_indices = #map1}, {transform_indices = #map}, {transform_indices = #map2}]} {
    %mul3A = arith.constant 640 : i32
    %mul3A_0 = arith.muli %arg1, %mul3A : i32
    %eq3A = arith.constant 0 : i32
    %eq3A_1 = arith.cmpi eq, %arg0, %eq3A : i32
    %jit3A = arith.constant 94 : i32
    %jit3A_2 = arith.constant 63 : i32
    %select_n3A = arith.select %eq3A_1, %jit3A, %jit3A_2 : i32
    %eq3A_3 = arith.constant 0 : i32
    %eq3A_4 = arith.cmpi eq, %arg0, %eq3A_3 : i32
    %mul3A_5 = arith.constant 94 : i32
    %mul3A_6 = arith.muli %arg1, %mul3A_5 : i32
    %mul3A_7 = arith.constant 63 : i32
    %mul3A_8 = arith.muli %arg1, %mul3A_7 : i32
    %add3A = arith.constant 1504 : i32
    %add3A_9 = arith.addi %add3A, %mul3A_8 : i32
    %select_n3A_10 = arith.select %eq3A_4, %mul3A_6, %add3A_9 : i32
    %mul3A_11 = arith.constant 128 : i32
    %mul3A_12 = arith.muli %select_n3A_10, %mul3A_11 : i32
    %multiple_of3A = arith.constant 321536 : i32
    %multiple_of3A_13 = tpu.assume_multiple %multiple_of3A, 128 : i32
    "tpu.region"() ({
      %run_scoped3A = tpu.sem_alloc : memref<!tpu.dma_semaphore, #tpu.memory_space<semaphore_mem>>
      %dma_start3A_28 = arith.constant 0 : i32
      %dma_start3A_29 = tpu.memref_slice %arg10[%mul3A_0, %dma_start3A_28] : memref<10240x128xf32, #tpu.memory_space<vmem_shared>> -> memref<640x128xf32, #tpu.memory_space<vmem_shared>>
      %dma_start3A_30 = arith.constant 0 : i32
      %dma_start3A_31 = tpu.memref_slice %arg5[%mul3A_0, %dma_start3A_30] : memref<10240x128xf32, #tpu.memory_space<hbm>> -> memref<640x128xf32, #tpu.memory_space<hbm>>
      tpu.enqueue_dma source(%dma_start3A_31 : memref<640x128xf32, #tpu.memory_space<hbm>>) target(%dma_start3A_29 : memref<640x128xf32, #tpu.memory_space<vmem_shared>>) target_semaphore(%run_scoped3A : memref<!tpu.dma_semaphore, #tpu.memory_space<semaphore_mem>>)
      %dma_wait3A_32 = arith.constant 0 : i32
      %dma_wait3A_33 = tpu.memref_slice %arg10[%mul3A_0, %dma_wait3A_32] : memref<10240x128xf32, #tpu.memory_space<vmem_shared>> -> memref<640x128xf32, #tpu.memory_space<vmem_shared>>
      %dma_wait3A_34 = arith.constant 0 : i32
      %dma_wait3A_35 = tpu.memref_slice %arg5[%mul3A_0, %dma_wait3A_34] : memref<10240x128xf32, #tpu.memory_space<hbm>> -> memref<640x128xf32, #tpu.memory_space<hbm>>
      tpu.wait_dma2 semaphore(%run_scoped3A : memref<!tpu.dma_semaphore, #tpu.memory_space<semaphore_mem>>) src(%dma_wait3A_35 : memref<640x128xf32, #tpu.memory_space<hbm>>) dst(%dma_wait3A_33 : memref<640x128xf32, #tpu.memory_space<vmem_shared>>)
      tpu.yield
    }) : () -> ()
    %barrier3A = arith.constant 0 : index
    tpu.barrier barrier_id(%barrier3A)
    "tpu.region"() ({
      %run_scoped3A = tpu.sem_alloc : memref<!tpu.dma_semaphore, #tpu.memory_space<semaphore_mem>>
      %dma_start3A_28 = tpu.memref_slice %arg4[%multiple_of3A_13] : memref<321664xi32, #tpu.memory_space<hbm>> -> memref<128xi32, #tpu.memory_space<hbm>>
      %dma_start3A_29 = tpu.memref_slice %arg4[%multiple_of3A_13] : memref<321664xi32, #tpu.memory_space<hbm>> -> memref<128xi32, #tpu.memory_space<hbm>>
      tpu.enqueue_dma source(%dma_start3A_29 : memref<128xi32, #tpu.memory_space<hbm>>) target(%arg8 : memref<128xi32, #tpu.memory_space<vmem>>) target_semaphore(%run_scoped3A : memref<!tpu.dma_semaphore, #tpu.memory_space<semaphore_mem>>)
      %dma_wait3A_30 = tpu.memref_slice %arg4[%multiple_of3A_13] : memref<321664xi32, #tpu.memory_space<hbm>> -> memref<128xi32, #tpu.memory_space<hbm>>
      %dma_wait3A_31 = tpu.memref_slice %arg4[%multiple_of3A_13] : memref<321664xi32, #tpu.memory_space<hbm>> -> memref<128xi32, #tpu.memory_space<hbm>>
      tpu.wait_dma2 semaphore(%run_scoped3A : memref<!tpu.dma_semaphore, #tpu.memory_space<semaphore_mem>>) src(%dma_wait3A_31 : memref<128xi32, #tpu.memory_space<hbm>>) dst(%arg8 : memref<128xi32, #tpu.memory_space<vmem>>)
      tpu.yield
    }) : () -> ()
    %dma_start3A = arith.constant 0 : i32
    %dma_start3A_14 = arith.constant 0 : i32
    %dma_start3A_15 = tpu.memref_slice %arg10[%dma_start3A, %dma_start3A_14] : memref<10240x128xf32, #tpu.memory_space<vmem_shared>> -> memref<10240x128xf32, #tpu.memory_space<vmem_shared>>
    tpu.enqueue_indirect_dma source(%arg9 : memref<128x128xf32, #tpu.memory_space<vmem>>) target(%dma_start3A_15 : memref<10240x128xf32, #tpu.memory_space<vmem_shared>>) offsets(%arg8 : memref<128xi32, #tpu.memory_space<vmem>>) semaphore(%arg12 : memref<!tpu.dma_semaphore, #tpu.memory_space<semaphore_mem>>) {add = true}
    %while3A = arith.constant 0 : i32
    %while3A_16 = arith.constant 0 : i32
    %while3A_17 = arith.subi %select_n3A, %while3A_16 : i32
    %while3A_18 = arith.addi %while3A_16, %while3A_17 : i32
    %while3A_19 = arith.constant 1 : i32
    %while3A_20 = arith.divsi %while3A_17, %while3A_19 : i32
    %while3A_21 = arith.muli %while3A_20, %while3A_19 : i32
    %while3A_22 = arith.addi %while3A_16, %while3A_21 : i32
    %while3A_23 = arith.constant 1 : i32
    scf.for %while3A_28 = %while3A_16 to %while3A_22 step %while3A_23  : i32 {
      %mul3A_29 = arith.constant 128 : i32
      %mul3A_30 = arith.muli %while3A_28, %mul3A_29 : i32
      %add3A_31 = arith.addi %mul3A_12, %mul3A_30 : i32
      %multiple_of3A_32 = tpu.assume_multiple %add3A_31, 128 : i32
      "tpu.region"() ({
        %run_scoped3A = tpu.sem_alloc : memref<!tpu.dma_semaphore, #tpu.memory_space<semaphore_mem>>
        %dma_start3A_45 = tpu.memref_slice %arg3[%multiple_of3A_32] : memref<321664xi32, #tpu.memory_space<hbm>> -> memref<128xi32, #tpu.memory_space<hbm>>
        %dma_start3A_46 = tpu.memref_slice %arg3[%multiple_of3A_32] : memref<321664xi32, #tpu.memory_space<hbm>> -> memref<128xi32, #tpu.memory_space<hbm>>
        tpu.enqueue_dma source(%dma_start3A_46 : memref<128xi32, #tpu.memory_space<hbm>>) target(%arg7 : memref<128xi32, #tpu.memory_space<vmem>>) target_semaphore(%run_scoped3A : memref<!tpu.dma_semaphore, #tpu.memory_space<semaphore_mem>>)
        %dma_wait3A_47 = tpu.memref_slice %arg3[%multiple_of3A_32] : memref<321664xi32, #tpu.memory_space<hbm>> -> memref<128xi32, #tpu.memory_space<hbm>>
        %dma_wait3A_48 = tpu.memref_slice %arg3[%multiple_of3A_32] : memref<321664xi32, #tpu.memory_space<hbm>> -> memref<128xi32, #tpu.memory_space<hbm>>
        tpu.wait_dma2 semaphore(%run_scoped3A : memref<!tpu.dma_semaphore, #tpu.memory_space<semaphore_mem>>) src(%dma_wait3A_48 : memref<128xi32, #tpu.memory_space<hbm>>) dst(%arg7 : memref<128xi32, #tpu.memory_space<vmem>>)
        tpu.yield
      }) : () -> ()
      %dma_wait3A_33 = arith.constant 0 : i32
      %dma_wait3A_34 = arith.constant 0 : i32
      %dma_wait3A_35 = tpu.memref_slice %arg10[%dma_wait3A_33, %dma_wait3A_34] : memref<10240x128xf32, #tpu.memory_space<vmem_shared>> -> memref<10240x128xf32, #tpu.memory_space<vmem_shared>>
      tpu.wait_indirect_dma semaphore(%arg12 : memref<!tpu.dma_semaphore, #tpu.memory_space<semaphore_mem>>) src(%arg9 : memref<128x128xf32, #tpu.memory_space<vmem>>) dst(%dma_wait3A_35 : memref<10240x128xf32, #tpu.memory_space<vmem_shared>>)
      %dma_start3A_36 = arith.constant 0 : i32
      %dma_start3A_37 = arith.constant 0 : i32
      %dma_start3A_38 = tpu.memref_slice %arg2[%dma_start3A_36, %dma_start3A_37] : memref<10240x128xf32, #tpu.memory_space<hbm>> -> memref<10240x128xf32, #tpu.memory_space<hbm>>
      tpu.enqueue_indirect_dma source(%dma_start3A_38 : memref<10240x128xf32, #tpu.memory_space<hbm>>) target(%arg9 : memref<128x128xf32, #tpu.memory_space<vmem>>) offsets(%arg7 : memref<128xi32, #tpu.memory_space<vmem>>) semaphore(%arg11 : memref<!tpu.dma_semaphore, #tpu.memory_space<semaphore_mem>>)
      "tpu.region"() ({
        %run_scoped3A = tpu.sem_alloc : memref<!tpu.dma_semaphore, #tpu.memory_space<semaphore_mem>>
        %dma_start3A_45 = tpu.memref_slice %arg4[%multiple_of3A_32] : memref<321664xi32, #tpu.memory_space<hbm>> -> memref<128xi32, #tpu.memory_space<hbm>>
        %dma_start3A_46 = tpu.memref_slice %arg4[%multiple_of3A_32] : memref<321664xi32, #tpu.memory_space<hbm>> -> memref<128xi32, #tpu.memory_space<hbm>>
        tpu.enqueue_dma source(%dma_start3A_46 : memref<128xi32, #tpu.memory_space<hbm>>) target(%arg8 : memref<128xi32, #tpu.memory_space<vmem>>) target_semaphore(%run_scoped3A : memref<!tpu.dma_semaphore, #tpu.memory_space<semaphore_mem>>)
        %dma_wait3A_47 = tpu.memref_slice %arg4[%multiple_of3A_32] : memref<321664xi32, #tpu.memory_space<hbm>> -> memref<128xi32, #tpu.memory_space<hbm>>
        %dma_wait3A_48 = tpu.memref_slice %arg4[%multiple_of3A_32] : memref<321664xi32, #tpu.memory_space<hbm>> -> memref<128xi32, #tpu.memory_space<hbm>>
        tpu.wait_dma2 semaphore(%run_scoped3A : memref<!tpu.dma_semaphore, #tpu.memory_space<semaphore_mem>>) src(%dma_wait3A_48 : memref<128xi32, #tpu.memory_space<hbm>>) dst(%arg8 : memref<128xi32, #tpu.memory_space<vmem>>)
        tpu.yield
      }) : () -> ()
      %dma_wait3A_39 = arith.constant 0 : i32
      %dma_wait3A_40 = arith.constant 0 : i32
      %dma_wait3A_41 = tpu.memref_slice %arg2[%dma_wait3A_39, %dma_wait3A_40] : memref<10240x128xf32, #tpu.memory_space<hbm>> -> memref<10240x128xf32, #tpu.memory_space<hbm>>
      tpu.wait_indirect_dma semaphore(%arg11 : memref<!tpu.dma_semaphore, #tpu.memory_space<semaphore_mem>>) src(%dma_wait3A_41 : memref<10240x128xf32, #tpu.memory_space<hbm>>) dst(%arg9 : memref<128x128xf32, #tpu.memory_space<vmem>>)
      %dma_start3A_42 = arith.constant 0 : i32
      %dma_start3A_43 = arith.constant 0 : i32
      %dma_start3A_44 = tpu.memref_slice %arg10[%dma_start3A_42, %dma_start3A_43] : memref<10240x128xf32, #tpu.memory_space<vmem_shared>> -> memref<10240x128xf32, #tpu.memory_space<vmem_shared>>
      tpu.enqueue_indirect_dma source(%arg9 : memref<128x128xf32, #tpu.memory_space<vmem>>) target(%dma_start3A_44 : memref<10240x128xf32, #tpu.memory_space<vmem_shared>>) offsets(%arg8 : memref<128xi32, #tpu.memory_space<vmem>>) semaphore(%arg12 : memref<!tpu.dma_semaphore, #tpu.memory_space<semaphore_mem>>) {add = true}
    }
    %while3A_24 = arith.constant 1 : i32
    scf.for %while3A_28 = %while3A_22 to %while3A_18 step %while3A_24  : i32 {
      %mul3A_29 = arith.constant 128 : i32
      %mul3A_30 = arith.muli %while3A_28, %mul3A_29 : i32
      %add3A_31 = arith.addi %mul3A_12, %mul3A_30 : i32
      %multiple_of3A_32 = tpu.assume_multiple %add3A_31, 128 : i32
      "tpu.region"() ({
        %run_scoped3A = tpu.sem_alloc : memref<!tpu.dma_semaphore, #tpu.memory_space<semaphore_mem>>
        %dma_start3A_45 = tpu.memref_slice %arg3[%multiple_of3A_32] : memref<321664xi32, #tpu.memory_space<hbm>> -> memref<128xi32, #tpu.memory_space<hbm>>
        %dma_start3A_46 = tpu.memref_slice %arg3[%multiple_of3A_32] : memref<321664xi32, #tpu.memory_space<hbm>> -> memref<128xi32, #tpu.memory_space<hbm>>
        tpu.enqueue_dma source(%dma_start3A_46 : memref<128xi32, #tpu.memory_space<hbm>>) target(%arg7 : memref<128xi32, #tpu.memory_space<vmem>>) target_semaphore(%run_scoped3A : memref<!tpu.dma_semaphore, #tpu.memory_space<semaphore_mem>>)
        %dma_wait3A_47 = tpu.memref_slice %arg3[%multiple_of3A_32] : memref<321664xi32, #tpu.memory_space<hbm>> -> memref<128xi32, #tpu.memory_space<hbm>>
        %dma_wait3A_48 = tpu.memref_slice %arg3[%multiple_of3A_32] : memref<321664xi32, #tpu.memory_space<hbm>> -> memref<128xi32, #tpu.memory_space<hbm>>
        tpu.wait_dma2 semaphore(%run_scoped3A : memref<!tpu.dma_semaphore, #tpu.memory_space<semaphore_mem>>) src(%dma_wait3A_48 : memref<128xi32, #tpu.memory_space<hbm>>) dst(%arg7 : memref<128xi32, #tpu.memory_space<vmem>>)
        tpu.yield
      }) : () -> ()
      %dma_wait3A_33 = arith.constant 0 : i32
      %dma_wait3A_34 = arith.constant 0 : i32
      %dma_wait3A_35 = tpu.memref_slice %arg10[%dma_wait3A_33, %dma_wait3A_34] : memref<10240x128xf32, #tpu.memory_space<vmem_shared>> -> memref<10240x128xf32, #tpu.memory_space<vmem_shared>>
      tpu.wait_indirect_dma semaphore(%arg12 : memref<!tpu.dma_semaphore, #tpu.memory_space<semaphore_mem>>) src(%arg9 : memref<128x128xf32, #tpu.memory_space<vmem>>) dst(%dma_wait3A_35 : memref<10240x128xf32, #tpu.memory_space<vmem_shared>>)
      %dma_start3A_36 = arith.constant 0 : i32
      %dma_start3A_37 = arith.constant 0 : i32
      %dma_start3A_38 = tpu.memref_slice %arg2[%dma_start3A_36, %dma_start3A_37] : memref<10240x128xf32, #tpu.memory_space<hbm>> -> memref<10240x128xf32, #tpu.memory_space<hbm>>
      tpu.enqueue_indirect_dma source(%dma_start3A_38 : memref<10240x128xf32, #tpu.memory_space<hbm>>) target(%arg9 : memref<128x128xf32, #tpu.memory_space<vmem>>) offsets(%arg7 : memref<128xi32, #tpu.memory_space<vmem>>) semaphore(%arg11 : memref<!tpu.dma_semaphore, #tpu.memory_space<semaphore_mem>>)
      "tpu.region"() ({
        %run_scoped3A = tpu.sem_alloc : memref<!tpu.dma_semaphore, #tpu.memory_space<semaphore_mem>>
        %dma_start3A_45 = tpu.memref_slice %arg4[%multiple_of3A_32] : memref<321664xi32, #tpu.memory_space<hbm>> -> memref<128xi32, #tpu.memory_space<hbm>>
        %dma_start3A_46 = tpu.memref_slice %arg4[%multiple_of3A_32] : memref<321664xi32, #tpu.memory_space<hbm>> -> memref<128xi32, #tpu.memory_space<hbm>>
        tpu.enqueue_dma source(%dma_start3A_46 : memref<128xi32, #tpu.memory_space<hbm>>) target(%arg8 : memref<128xi32, #tpu.memory_space<vmem>>) target_semaphore(%run_scoped3A : memref<!tpu.dma_semaphore, #tpu.memory_space<semaphore_mem>>)
        %dma_wait3A_47 = tpu.memref_slice %arg4[%multiple_of3A_32] : memref<321664xi32, #tpu.memory_space<hbm>> -> memref<128xi32, #tpu.memory_space<hbm>>
        %dma_wait3A_48 = tpu.memref_slice %arg4[%multiple_of3A_32] : memref<321664xi32, #tpu.memory_space<hbm>> -> memref<128xi32, #tpu.memory_space<hbm>>
        tpu.wait_dma2 semaphore(%run_scoped3A : memref<!tpu.dma_semaphore, #tpu.memory_space<semaphore_mem>>) src(%dma_wait3A_48 : memref<128xi32, #tpu.memory_space<hbm>>) dst(%arg8 : memref<128xi32, #tpu.memory_space<vmem>>)
        tpu.yield
      }) : () -> ()
      %dma_wait3A_39 = arith.constant 0 : i32
      %dma_wait3A_40 = arith.constant 0 : i32
      %dma_wait3A_41 = tpu.memref_slice %arg2[%dma_wait3A_39, %dma_wait3A_40] : memref<10240x128xf32, #tpu.memory_space<hbm>> -> memref<10240x128xf32, #tpu.memory_space<hbm>>
      tpu.wait_indirect_dma semaphore(%arg11 : memref<!tpu.dma_semaphore, #tpu.memory_space<semaphore_mem>>) src(%dma_wait3A_41 : memref<10240x128xf32, #tpu.memory_space<hbm>>) dst(%arg9 : memref<128x128xf32, #tpu.memory_space<vmem>>)
      %dma_start3A_42 = arith.constant 0 : i32
      %dma_start3A_43 = arith.constant 0 : i32
      %dma_start3A_44 = tpu.memref_slice %arg10[%dma_start3A_42, %dma_start3A_43] : memref<10240x128xf32, #tpu.memory_space<vmem_shared>> -> memref<10240x128xf32, #tpu.memory_space<vmem_shared>>
      tpu.enqueue_indirect_dma source(%arg9 : memref<128x128xf32, #tpu.memory_space<vmem>>) target(%dma_start3A_44 : memref<10240x128xf32, #tpu.memory_space<vmem_shared>>) offsets(%arg8 : memref<128xi32, #tpu.memory_space<vmem>>) semaphore(%arg12 : memref<!tpu.dma_semaphore, #tpu.memory_space<semaphore_mem>>) {add = true}
    }
    %dma_wait3A = arith.constant 0 : i32
    %dma_wait3A_25 = arith.constant 0 : i32
    %dma_wait3A_26 = tpu.memref_slice %arg10[%dma_wait3A, %dma_wait3A_25] : memref<10240x128xf32, #tpu.memory_space<vmem_shared>> -> memref<10240x128xf32, #tpu.memory_space<vmem_shared>>
    tpu.wait_indirect_dma semaphore(%arg12 : memref<!tpu.dma_semaphore, #tpu.memory_space<semaphore_mem>>) src(%arg9 : memref<128x128xf32, #tpu.memory_space<vmem>>) dst(%dma_wait3A_26 : memref<10240x128xf32, #tpu.memory_space<vmem_shared>>)
    %barrier3A_27 = arith.constant 0 : index
    tpu.barrier barrier_id(%barrier3A_27)
    "tpu.region"() ({
      %run_scoped3A = tpu.sem_alloc : memref<!tpu.dma_semaphore, #tpu.memory_space<semaphore_mem>>
      %dma_start3A_28 = arith.constant 0 : i32
      %dma_start3A_29 = tpu.memref_slice %arg6[%arg0, %mul3A_0, %dma_start3A_28] : memref<2x10240x128xf32, #tpu.memory_space<hbm>> -> memref<1x640x128xf32, #tpu.memory_space<hbm>>
      %dma_start3A_30 = tpu.memref_squeeze %dma_start3A_29 : memref<1x640x128xf32, #tpu.memory_space<hbm>> -> memref<640x128xf32, #tpu.memory_space<hbm>>
      %dma_start3A_31 = arith.constant 0 : i32
      %dma_start3A_32 = tpu.memref_slice %arg10[%mul3A_0, %dma_start3A_31] : memref<10240x128xf32, #tpu.memory_space<vmem_shared>> -> memref<640x128xf32, #tpu.memory_space<vmem_shared>>
      tpu.enqueue_dma source(%dma_start3A_32 : memref<640x128xf32, #tpu.memory_space<vmem_shared>>) target(%dma_start3A_30 : memref<640x128xf32, #tpu.memory_space<hbm>>) target_semaphore(%run_scoped3A : memref<!tpu.dma_semaphore, #tpu.memory_space<semaphore_mem>>)
      %dma_wait3A_33 = arith.constant 0 : i32
      %dma_wait3A_34 = tpu.memref_slice %arg6[%arg0, %mul3A_0, %dma_wait3A_33] : memref<2x10240x128xf32, #tpu.memory_space<hbm>> -> memref<1x640x128xf32, #tpu.memory_space<hbm>>
      %dma_wait3A_35 = tpu.memref_squeeze %dma_wait3A_34 : memref<1x640x128xf32, #tpu.memory_space<hbm>> -> memref<640x128xf32, #tpu.memory_space<hbm>>
      %dma_wait3A_36 = arith.constant 0 : i32
      %dma_wait3A_37 = tpu.memref_slice %arg10[%mul3A_0, %dma_wait3A_36] : memref<10240x128xf32, #tpu.memory_space<vmem_shared>> -> memref<640x128xf32, #tpu.memory_space<vmem_shared>>
      tpu.wait_dma2 semaphore(%run_scoped3A : memref<!tpu.dma_semaphore, #tpu.memory_space<semaphore_mem>>) src(%dma_wait3A_37 : memref<640x128xf32, #tpu.memory_space<vmem_shared>>) dst(%dma_wait3A_35 : memref<640x128xf32, #tpu.memory_space<hbm>>)
      tpu.yield
    }) : () -> ()
    return
  }
}

#map = affine_map<(d0, d1) -> (0, 0)>
#map1 = affine_map<(d0, d1) -> (0)>
#map2 = affine_map<(d0, d1) -> (0, 0, 0)>
module attributes {stable_mosaic.version = 14 : i64} {
  func.func @agg_kernel(%arg0: i32, %arg1: i32, %arg2: memref<10240x128xf32, #tpu.memory_space<hbm>>, %arg3: memref<321664xi32, #tpu.memory_space<hbm>>, %arg4: memref<321664xi32, #tpu.memory_space<hbm>>, %arg5: memref<10240x128xf32, #tpu.memory_space<hbm>>, %arg6: memref<2x10240x128xf32, #tpu.memory_space<hbm>>, %arg7: memref<128xi32, #tpu.memory_space<vmem>>, %arg8: memref<128xi32, #tpu.memory_space<vmem>>, %arg9: memref<128x128xf32, #tpu.memory_space<vmem>>, %arg10: memref<10240x128xf32, #tpu.memory_space<vmem_shared>>, %arg11: memref<!tpu.dma_semaphore, #tpu.memory_space<semaphore_mem>>, %arg12: memref<!tpu.dma_semaphore, #tpu.memory_space<semaphore_mem>>) attributes {dimension_semantics = [#tpu.dimension_semantics<core_parallel>, #tpu.dimension_semantics<subcore_parallel>], iteration_bounds = array<i64: 2, 16>, scalar_prefetch = 0 : i64, scratch_operands = 6 : i64, tpu.core_type = #tpu.core_type<sc_vector_subcore>, window_params = [{transform_indices = #map}, {transform_indices = #map1}, {transform_indices = #map1}, {transform_indices = #map}, {transform_indices = #map2}]} {
    %mul3A = arith.constant 640 : i32
    %mul3A_0 = arith.muli %arg1, %mul3A : i32
    %eq3A = arith.constant 0 : i32
    %eq3A_1 = arith.cmpi eq, %arg0, %eq3A : i32
    %jit3A = arith.constant 94 : i32
    %jit3A_2 = arith.constant 63 : i32
    %select_n3A = arith.select %eq3A_1, %jit3A, %jit3A_2 : i32
    %eq3A_3 = arith.constant 0 : i32
    %eq3A_4 = arith.cmpi eq, %arg0, %eq3A_3 : i32
    %mul3A_5 = arith.constant 94 : i32
    %mul3A_6 = arith.muli %arg1, %mul3A_5 : i32
    %mul3A_7 = arith.constant 63 : i32
    %mul3A_8 = arith.muli %arg1, %mul3A_7 : i32
    %add3A = arith.constant 1504 : i32
    %add3A_9 = arith.addi %add3A, %mul3A_8 : i32
    %select_n3A_10 = arith.select %eq3A_4, %mul3A_6, %add3A_9 : i32
    %mul3A_11 = arith.constant 128 : i32
    %mul3A_12 = arith.muli %select_n3A_10, %mul3A_11 : i32
    %multiple_of3A = arith.constant 321536 : i32
    %multiple_of3A_13 = tpu.assume_multiple %multiple_of3A, 128 : i32
    "tpu.region"() ({
      %run_scoped3A = tpu.sem_alloc : memref<!tpu.dma_semaphore, #tpu.memory_space<semaphore_mem>>
      %dma_start3A_28 = arith.constant 0 : i32
      %dma_start3A_29 = tpu.memref_slice %arg10[%mul3A_0, %dma_start3A_28] : memref<10240x128xf32, #tpu.memory_space<vmem_shared>> -> memref<640x128xf32, #tpu.memory_space<vmem_shared>>
      %dma_start3A_30 = arith.constant 0 : i32
      %dma_start3A_31 = tpu.memref_slice %arg5[%mul3A_0, %dma_start3A_30] : memref<10240x128xf32, #tpu.memory_space<hbm>> -> memref<640x128xf32, #tpu.memory_space<hbm>>
      tpu.enqueue_dma source(%dma_start3A_31 : memref<640x128xf32, #tpu.memory_space<hbm>>) target(%dma_start3A_29 : memref<640x128xf32, #tpu.memory_space<vmem_shared>>) target_semaphore(%run_scoped3A : memref<!tpu.dma_semaphore, #tpu.memory_space<semaphore_mem>>)
      %dma_wait3A_32 = arith.constant 0 : i32
      %dma_wait3A_33 = tpu.memref_slice %arg10[%mul3A_0, %dma_wait3A_32] : memref<10240x128xf32, #tpu.memory_space<vmem_shared>> -> memref<640x128xf32, #tpu.memory_space<vmem_shared>>
      %dma_wait3A_34 = arith.constant 0 : i32
      %dma_wait3A_35 = tpu.memref_slice %arg5[%mul3A_0, %dma_wait3A_34] : memref<10240x128xf32, #tpu.memory_space<hbm>> -> memref<640x128xf32, #tpu.memory_space<hbm>>
      tpu.wait_dma2 semaphore(%run_scoped3A : memref<!tpu.dma_semaphore, #tpu.memory_space<semaphore_mem>>) src(%dma_wait3A_35 : memref<640x128xf32, #tpu.memory_space<hbm>>) dst(%dma_wait3A_33 : memref<640x128xf32, #tpu.memory_space<vmem_shared>>)
      tpu.yield
    }) : () -> ()
    %barrier3A = arith.constant 0 : index
    tpu.barrier barrier_id(%barrier3A)
    "tpu.region"() ({
      %run_scoped3A = tpu.sem_alloc : memref<!tpu.dma_semaphore, #tpu.memory_space<semaphore_mem>>
      %dma_start3A_28 = tpu.memref_slice %arg4[%multiple_of3A_13] : memref<321664xi32, #tpu.memory_space<hbm>> -> memref<128xi32, #tpu.memory_space<hbm>>
      %dma_start3A_29 = tpu.memref_slice %arg4[%multiple_of3A_13] : memref<321664xi32, #tpu.memory_space<hbm>> -> memref<128xi32, #tpu.memory_space<hbm>>
      tpu.enqueue_dma source(%dma_start3A_29 : memref<128xi32, #tpu.memory_space<hbm>>) target(%arg8 : memref<128xi32, #tpu.memory_space<vmem>>) target_semaphore(%run_scoped3A : memref<!tpu.dma_semaphore, #tpu.memory_space<semaphore_mem>>)
      %dma_wait3A_30 = tpu.memref_slice %arg4[%multiple_of3A_13] : memref<321664xi32, #tpu.memory_space<hbm>> -> memref<128xi32, #tpu.memory_space<hbm>>
      %dma_wait3A_31 = tpu.memref_slice %arg4[%multiple_of3A_13] : memref<321664xi32, #tpu.memory_space<hbm>> -> memref<128xi32, #tpu.memory_space<hbm>>
      tpu.wait_dma2 semaphore(%run_scoped3A : memref<!tpu.dma_semaphore, #tpu.memory_space<semaphore_mem>>) src(%dma_wait3A_31 : memref<128xi32, #tpu.memory_space<hbm>>) dst(%arg8 : memref<128xi32, #tpu.memory_space<vmem>>)
      tpu.yield
    }) : () -> ()
    %dma_start3A = arith.constant 0 : i32
    %dma_start3A_14 = arith.constant 0 : i32
    %dma_start3A_15 = tpu.memref_slice %arg10[%dma_start3A, %dma_start3A_14] : memref<10240x128xf32, #tpu.memory_space<vmem_shared>> -> memref<10240x128xf32, #tpu.memory_space<vmem_shared>>
    tpu.enqueue_indirect_dma source(%arg9 : memref<128x128xf32, #tpu.memory_space<vmem>>) target(%dma_start3A_15 : memref<10240x128xf32, #tpu.memory_space<vmem_shared>>) offsets(%arg8 : memref<128xi32, #tpu.memory_space<vmem>>) semaphore(%arg12 : memref<!tpu.dma_semaphore, #tpu.memory_space<semaphore_mem>>) {add = true}
    %while3A = arith.constant 0 : i32
    %while3A_16 = arith.constant 0 : i32
    %while3A_17 = arith.subi %select_n3A, %while3A_16 : i32
    %while3A_18 = arith.addi %while3A_16, %while3A_17 : i32
    %while3A_19 = arith.constant 1 : i32
    %while3A_20 = arith.divsi %while3A_17, %while3A_19 : i32
    %while3A_21 = arith.muli %while3A_20, %while3A_19 : i32
    %while3A_22 = arith.addi %while3A_16, %while3A_21 : i32
    %while3A_23 = arith.constant 1 : i32
    scf.for %while3A_28 = %while3A_16 to %while3A_22 step %while3A_23  : i32 {
      %mul3A_29 = arith.constant 128 : i32
      %mul3A_30 = arith.muli %while3A_28, %mul3A_29 : i32
      %add3A_31 = arith.addi %mul3A_12, %mul3A_30 : i32
      %multiple_of3A_32 = tpu.assume_multiple %add3A_31, 128 : i32
      "tpu.region"() ({
        %run_scoped3A = tpu.sem_alloc : memref<!tpu.dma_semaphore, #tpu.memory_space<semaphore_mem>>
        %dma_start3A_45 = tpu.memref_slice %arg3[%multiple_of3A_32] : memref<321664xi32, #tpu.memory_space<hbm>> -> memref<128xi32, #tpu.memory_space<hbm>>
        %dma_start3A_46 = tpu.memref_slice %arg3[%multiple_of3A_32] : memref<321664xi32, #tpu.memory_space<hbm>> -> memref<128xi32, #tpu.memory_space<hbm>>
        tpu.enqueue_dma source(%dma_start3A_46 : memref<128xi32, #tpu.memory_space<hbm>>) target(%arg7 : memref<128xi32, #tpu.memory_space<vmem>>) target_semaphore(%run_scoped3A : memref<!tpu.dma_semaphore, #tpu.memory_space<semaphore_mem>>)
        %dma_wait3A_47 = tpu.memref_slice %arg3[%multiple_of3A_32] : memref<321664xi32, #tpu.memory_space<hbm>> -> memref<128xi32, #tpu.memory_space<hbm>>
        %dma_wait3A_48 = tpu.memref_slice %arg3[%multiple_of3A_32] : memref<321664xi32, #tpu.memory_space<hbm>> -> memref<128xi32, #tpu.memory_space<hbm>>
        tpu.wait_dma2 semaphore(%run_scoped3A : memref<!tpu.dma_semaphore, #tpu.memory_space<semaphore_mem>>) src(%dma_wait3A_48 : memref<128xi32, #tpu.memory_space<hbm>>) dst(%arg7 : memref<128xi32, #tpu.memory_space<vmem>>)
        tpu.yield
      }) : () -> ()
      %dma_wait3A_33 = arith.constant 0 : i32
      %dma_wait3A_34 = arith.constant 0 : i32
      %dma_wait3A_35 = tpu.memref_slice %arg10[%dma_wait3A_33, %dma_wait3A_34] : memref<10240x128xf32, #tpu.memory_space<vmem_shared>> -> memref<10240x128xf32, #tpu.memory_space<vmem_shared>>
      tpu.wait_indirect_dma semaphore(%arg12 : memref<!tpu.dma_semaphore, #tpu.memory_space<semaphore_mem>>) src(%arg9 : memref<128x128xf32, #tpu.memory_space<vmem>>) dst(%dma_wait3A_35 : memref<10240x128xf32, #tpu.memory_space<vmem_shared>>)
      %dma_start3A_36 = arith.constant 0 : i32
      %dma_start3A_37 = arith.constant 0 : i32
      %dma_start3A_38 = tpu.memref_slice %arg2[%dma_start3A_36, %dma_start3A_37] : memref<10240x128xf32, #tpu.memory_space<hbm>> -> memref<10240x128xf32, #tpu.memory_space<hbm>>
      tpu.enqueue_indirect_dma source(%dma_start3A_38 : memref<10240x128xf32, #tpu.memory_space<hbm>>) target(%arg9 : memref<128x128xf32, #tpu.memory_space<vmem>>) offsets(%arg7 : memref<128xi32, #tpu.memory_space<vmem>>) semaphore(%arg11 : memref<!tpu.dma_semaphore, #tpu.memory_space<semaphore_mem>>)
      "tpu.region"() ({
        %run_scoped3A = tpu.sem_alloc : memref<!tpu.dma_semaphore, #tpu.memory_space<semaphore_mem>>
        %dma_start3A_45 = tpu.memref_slice %arg4[%multiple_of3A_32] : memref<321664xi32, #tpu.memory_space<hbm>> -> memref<128xi32, #tpu.memory_space<hbm>>
        %dma_start3A_46 = tpu.memref_slice %arg4[%multiple_of3A_32] : memref<321664xi32, #tpu.memory_space<hbm>> -> memref<128xi32, #tpu.memory_space<hbm>>
        tpu.enqueue_dma source(%dma_start3A_46 : memref<128xi32, #tpu.memory_space<hbm>>) target(%arg8 : memref<128xi32, #tpu.memory_space<vmem>>) target_semaphore(%run_scoped3A : memref<!tpu.dma_semaphore, #tpu.memory_space<semaphore_mem>>)
        %dma_wait3A_47 = tpu.memref_slice %arg4[%multiple_of3A_32] : memref<321664xi32, #tpu.memory_space<hbm>> -> memref<128xi32, #tpu.memory_space<hbm>>
        %dma_wait3A_48 = tpu.memref_slice %arg4[%multiple_of3A_32] : memref<321664xi32, #tpu.memory_space<hbm>> -> memref<128xi32, #tpu.memory_space<hbm>>
        tpu.wait_dma2 semaphore(%run_scoped3A : memref<!tpu.dma_semaphore, #tpu.memory_space<semaphore_mem>>) src(%dma_wait3A_48 : memref<128xi32, #tpu.memory_space<hbm>>) dst(%arg8 : memref<128xi32, #tpu.memory_space<vmem>>)
        tpu.yield
      }) : () -> ()
      %dma_wait3A_39 = arith.constant 0 : i32
      %dma_wait3A_40 = arith.constant 0 : i32
      %dma_wait3A_41 = tpu.memref_slice %arg2[%dma_wait3A_39, %dma_wait3A_40] : memref<10240x128xf32, #tpu.memory_space<hbm>> -> memref<10240x128xf32, #tpu.memory_space<hbm>>
      tpu.wait_indirect_dma semaphore(%arg11 : memref<!tpu.dma_semaphore, #tpu.memory_space<semaphore_mem>>) src(%dma_wait3A_41 : memref<10240x128xf32, #tpu.memory_space<hbm>>) dst(%arg9 : memref<128x128xf32, #tpu.memory_space<vmem>>)
      %dma_start3A_42 = arith.constant 0 : i32
      %dma_start3A_43 = arith.constant 0 : i32
      %dma_start3A_44 = tpu.memref_slice %arg10[%dma_start3A_42, %dma_start3A_43] : memref<10240x128xf32, #tpu.memory_space<vmem_shared>> -> memref<10240x128xf32, #tpu.memory_space<vmem_shared>>
      tpu.enqueue_indirect_dma source(%arg9 : memref<128x128xf32, #tpu.memory_space<vmem>>) target(%dma_start3A_44 : memref<10240x128xf32, #tpu.memory_space<vmem_shared>>) offsets(%arg8 : memref<128xi32, #tpu.memory_space<vmem>>) semaphore(%arg12 : memref<!tpu.dma_semaphore, #tpu.memory_space<semaphore_mem>>) {add = true}
    }
    %while3A_24 = arith.constant 1 : i32
    scf.for %while3A_28 = %while3A_22 to %while3A_18 step %while3A_24  : i32 {
      %mul3A_29 = arith.constant 128 : i32
      %mul3A_30 = arith.muli %while3A_28, %mul3A_29 : i32
      %add3A_31 = arith.addi %mul3A_12, %mul3A_30 : i32
      %multiple_of3A_32 = tpu.assume_multiple %add3A_31, 128 : i32
      "tpu.region"() ({
        %run_scoped3A = tpu.sem_alloc : memref<!tpu.dma_semaphore, #tpu.memory_space<semaphore_mem>>
        %dma_start3A_45 = tpu.memref_slice %arg3[%multiple_of3A_32] : memref<321664xi32, #tpu.memory_space<hbm>> -> memref<128xi32, #tpu.memory_space<hbm>>
        %dma_start3A_46 = tpu.memref_slice %arg3[%multiple_of3A_32] : memref<321664xi32, #tpu.memory_space<hbm>> -> memref<128xi32, #tpu.memory_space<hbm>>
        tpu.enqueue_dma source(%dma_start3A_46 : memref<128xi32, #tpu.memory_space<hbm>>) target(%arg7 : memref<128xi32, #tpu.memory_space<vmem>>) target_semaphore(%run_scoped3A : memref<!tpu.dma_semaphore, #tpu.memory_space<semaphore_mem>>)
        %dma_wait3A_47 = tpu.memref_slice %arg3[%multiple_of3A_32] : memref<321664xi32, #tpu.memory_space<hbm>> -> memref<128xi32, #tpu.memory_space<hbm>>
        %dma_wait3A_48 = tpu.memref_slice %arg3[%multiple_of3A_32] : memref<321664xi32, #tpu.memory_space<hbm>> -> memref<128xi32, #tpu.memory_space<hbm>>
        tpu.wait_dma2 semaphore(%run_scoped3A : memref<!tpu.dma_semaphore, #tpu.memory_space<semaphore_mem>>) src(%dma_wait3A_48 : memref<128xi32, #tpu.memory_space<hbm>>) dst(%arg7 : memref<128xi32, #tpu.memory_space<vmem>>)
        tpu.yield
      }) : () -> ()
      %dma_wait3A_33 = arith.constant 0 : i32
      %dma_wait3A_34 = arith.constant 0 : i32
      %dma_wait3A_35 = tpu.memref_slice %arg10[%dma_wait3A_33, %dma_wait3A_34] : memref<10240x128xf32, #tpu.memory_space<vmem_shared>> -> memref<10240x128xf32, #tpu.memory_space<vmem_shared>>
      tpu.wait_indirect_dma semaphore(%arg12 : memref<!tpu.dma_semaphore, #tpu.memory_space<semaphore_mem>>) src(%arg9 : memref<128x128xf32, #tpu.memory_space<vmem>>) dst(%dma_wait3A_35 : memref<10240x128xf32, #tpu.memory_space<vmem_shared>>)
      %dma_start3A_36 = arith.constant 0 : i32
      %dma_start3A_37 = arith.constant 0 : i32
      %dma_start3A_38 = tpu.memref_slice %arg2[%dma_start3A_36, %dma_start3A_37] : memref<10240x128xf32, #tpu.memory_space<hbm>> -> memref<10240x128xf32, #tpu.memory_space<hbm>>
      tpu.enqueue_indirect_dma source(%dma_start3A_38 : memref<10240x128xf32, #tpu.memory_space<hbm>>) target(%arg9 : memref<128x128xf32, #tpu.memory_space<vmem>>) offsets(%arg7 : memref<128xi32, #tpu.memory_space<vmem>>) semaphore(%arg11 : memref<!tpu.dma_semaphore, #tpu.memory_space<semaphore_mem>>)
      "tpu.region"() ({
        %run_scoped3A = tpu.sem_alloc : memref<!tpu.dma_semaphore, #tpu.memory_space<semaphore_mem>>
        %dma_start3A_45 = tpu.memref_slice %arg4[%multiple_of3A_32] : memref<321664xi32, #tpu.memory_space<hbm>> -> memref<128xi32, #tpu.memory_space<hbm>>
        %dma_start3A_46 = tpu.memref_slice %arg4[%multiple_of3A_32] : memref<321664xi32, #tpu.memory_space<hbm>> -> memref<128xi32, #tpu.memory_space<hbm>>
        tpu.enqueue_dma source(%dma_start3A_46 : memref<128xi32, #tpu.memory_space<hbm>>) target(%arg8 : memref<128xi32, #tpu.memory_space<vmem>>) target_semaphore(%run_scoped3A : memref<!tpu.dma_semaphore, #tpu.memory_space<semaphore_mem>>)
        %dma_wait3A_47 = tpu.memref_slice %arg4[%multiple_of3A_32] : memref<321664xi32, #tpu.memory_space<hbm>> -> memref<128xi32, #tpu.memory_space<hbm>>
        %dma_wait3A_48 = tpu.memref_slice %arg4[%multiple_of3A_32] : memref<321664xi32, #tpu.memory_space<hbm>> -> memref<128xi32, #tpu.memory_space<hbm>>
        tpu.wait_dma2 semaphore(%run_scoped3A : memref<!tpu.dma_semaphore, #tpu.memory_space<semaphore_mem>>) src(%dma_wait3A_48 : memref<128xi32, #tpu.memory_space<hbm>>) dst(%arg8 : memref<128xi32, #tpu.memory_space<vmem>>)
        tpu.yield
      }) : () -> ()
      %dma_wait3A_39 = arith.constant 0 : i32
      %dma_wait3A_40 = arith.constant 0 : i32
      %dma_wait3A_41 = tpu.memref_slice %arg2[%dma_wait3A_39, %dma_wait3A_40] : memref<10240x128xf32, #tpu.memory_space<hbm>> -> memref<10240x128xf32, #tpu.memory_space<hbm>>
      tpu.wait_indirect_dma semaphore(%arg11 : memref<!tpu.dma_semaphore, #tpu.memory_space<semaphore_mem>>) src(%dma_wait3A_41 : memref<10240x128xf32, #tpu.memory_space<hbm>>) dst(%arg9 : memref<128x128xf32, #tpu.memory_space<vmem>>)
      %dma_start3A_42 = arith.constant 0 : i32
      %dma_start3A_43 = arith.constant 0 : i32
      %dma_start3A_44 = tpu.memref_slice %arg10[%dma_start3A_42, %dma_start3A_43] : memref<10240x128xf32, #tpu.memory_space<vmem_shared>> -> memref<10240x128xf32, #tpu.memory_space<vmem_shared>>
      tpu.enqueue_indirect_dma source(%arg9 : memref<128x128xf32, #tpu.memory_space<vmem>>) target(%dma_start3A_44 : memref<10240x128xf32, #tpu.memory_space<vmem_shared>>) offsets(%arg8 : memref<128xi32, #tpu.memory_space<vmem>>) semaphore(%arg12 : memref<!tpu.dma_semaphore, #tpu.memory_space<semaphore_mem>>) {add = true}
    }
    %dma_wait3A = arith.constant 0 : i32
    %dma_wait3A_25 = arith.constant 0 : i32
    %dma_wait3A_26 = tpu.memref_slice %arg10[%dma_wait3A, %dma_wait3A_25] : memref<10240x128xf32, #tpu.memory_space<vmem_shared>> -> memref<10240x128xf32, #tpu.memory_space<vmem_shared>>
    tpu.wait_indirect_dma semaphore(%arg12 : memref<!tpu.dma_semaphore, #tpu.memory_space<semaphore_mem>>) src(%arg9 : memref<128x128xf32, #tpu.memory_space<vmem>>) dst(%dma_wait3A_26 : memref<10240x128xf32, #tpu.memory_space<vmem_shared>>)
    %barrier3A_27 = arith.constant 0 : index
    tpu.barrier barrier_id(%barrier3A_27)
    "tpu.region"() ({
      %run_scoped3A = tpu.sem_alloc : memref<!tpu.dma_semaphore, #tpu.memory_space<semaphore_mem>>
      %dma_start3A_28 = arith.constant 0 : i32
      %dma_start3A_29 = tpu.memref_slice %arg6[%arg0, %mul3A_0, %dma_start3A_28] : memref<2x10240x128xf32, #tpu.memory_space<hbm>> -> memref<1x640x128xf32, #tpu.memory_space<hbm>>
      %dma_start3A_30 = tpu.memref_squeeze %dma_start3A_29 : memref<1x640x128xf32, #tpu.memory_space<hbm>> -> memref<640x128xf32, #tpu.memory_space<hbm>>
      %dma_start3A_31 = arith.constant 0 : i32
      %dma_start3A_32 = tpu.memref_slice %arg10[%mul3A_0, %dma_start3A_31] : memref<10240x128xf32, #tpu.memory_space<vmem_shared>> -> memref<640x128xf32, #tpu.memory_space<vmem_shared>>
      tpu.enqueue_dma source(%dma_start3A_32 : memref<640x128xf32, #tpu.memory_space<vmem_shared>>) target(%dma_start3A_30 : memref<640x128xf32, #tpu.memory_space<hbm>>) target_semaphore(%run_scoped3A : memref<!tpu.dma_semaphore, #tpu.memory_space<semaphore_mem>>)
      %dma_wait3A_33 = arith.constant 0 : i32
      %dma_wait3A_34 = tpu.memref_slice %arg6[%arg0, %mul3A_0, %dma_wait3A_33] : memref<2x10240x128xf32, #tpu.memory_space<hbm>> -> memref<1x640x128xf32, #tpu.memory_space<hbm>>
      %dma_wait3A_35 = tpu.memref_squeeze %dma_wait3A_34 : memref<1x640x128xf32, #tpu.memory_space<hbm>> -> memref<640x128xf32, #tpu.memory_space<hbm>>
      %dma_wait3A_36 = arith.constant 0 : i32
      %dma_wait3A_37 = tpu.memref_slice %arg10[%mul3A_0, %dma_wait3A_36] : memref<10240x128xf32, #tpu.memory_space<vmem_shared>> -> memref<640x128xf32, #tpu.memory_space<vmem_shared>>
      tpu.wait_dma2 semaphore(%run_scoped3A : memref<!tpu.dma_semaphore, #tpu.memory_space<semaphore_mem>>) src(%dma_wait3A_37 : memref<640x128xf32, #tpu.memory_space<vmem_shared>>) dst(%dma_wait3A_35 : memref<640x128xf32, #tpu.memory_space<hbm>>)
      tpu.yield
    }) : () -> ()
    return
  }
}

#map = affine_map<(d0, d1) -> (0, 0)>
#map1 = affine_map<(d0, d1) -> (0)>
#map2 = affine_map<(d0, d1) -> (0, 0, 0)>
module attributes {stable_mosaic.version = 14 : i64} {
  func.func @agg_kernel(%arg0: i32, %arg1: i32, %arg2: memref<10240x128xf32, #tpu.memory_space<hbm>>, %arg3: memref<321664xi32, #tpu.memory_space<hbm>>, %arg4: memref<321664xi32, #tpu.memory_space<hbm>>, %arg5: memref<10240x128xf32, #tpu.memory_space<hbm>>, %arg6: memref<2x10240x128xf32, #tpu.memory_space<hbm>>, %arg7: memref<128xi32, #tpu.memory_space<vmem>>, %arg8: memref<128xi32, #tpu.memory_space<vmem>>, %arg9: memref<128x128xf32, #tpu.memory_space<vmem>>, %arg10: memref<10240x128xf32, #tpu.memory_space<vmem_shared>>, %arg11: memref<!tpu.dma_semaphore, #tpu.memory_space<semaphore_mem>>, %arg12: memref<!tpu.dma_semaphore, #tpu.memory_space<semaphore_mem>>) attributes {dimension_semantics = [#tpu.dimension_semantics<core_parallel>, #tpu.dimension_semantics<subcore_parallel>], iteration_bounds = array<i64: 2, 16>, scalar_prefetch = 0 : i64, scratch_operands = 6 : i64, tpu.core_type = #tpu.core_type<sc_vector_subcore>, window_params = [{transform_indices = #map}, {transform_indices = #map1}, {transform_indices = #map1}, {transform_indices = #map}, {transform_indices = #map2}]} {
    %mul3A = arith.constant 640 : i32
    %mul3A_0 = arith.muli %arg1, %mul3A : i32
    %eq3A = arith.constant 0 : i32
    %eq3A_1 = arith.cmpi eq, %arg0, %eq3A : i32
    %jit3A = arith.constant 94 : i32
    %jit3A_2 = arith.constant 63 : i32
    %select_n3A = arith.select %eq3A_1, %jit3A, %jit3A_2 : i32
    %eq3A_3 = arith.constant 0 : i32
    %eq3A_4 = arith.cmpi eq, %arg0, %eq3A_3 : i32
    %mul3A_5 = arith.constant 94 : i32
    %mul3A_6 = arith.muli %arg1, %mul3A_5 : i32
    %mul3A_7 = arith.constant 63 : i32
    %mul3A_8 = arith.muli %arg1, %mul3A_7 : i32
    %add3A = arith.constant 1504 : i32
    %add3A_9 = arith.addi %add3A, %mul3A_8 : i32
    %select_n3A_10 = arith.select %eq3A_4, %mul3A_6, %add3A_9 : i32
    %mul3A_11 = arith.constant 128 : i32
    %mul3A_12 = arith.muli %select_n3A_10, %mul3A_11 : i32
    %multiple_of3A = arith.constant 321536 : i32
    %multiple_of3A_13 = tpu.assume_multiple %multiple_of3A, 128 : i32
    "tpu.region"() ({
      %run_scoped3A = tpu.sem_alloc : memref<!tpu.dma_semaphore, #tpu.memory_space<semaphore_mem>>
      %dma_start3A_28 = arith.constant 0 : i32
      %dma_start3A_29 = tpu.memref_slice %arg10[%mul3A_0, %dma_start3A_28] : memref<10240x128xf32, #tpu.memory_space<vmem_shared>> -> memref<640x128xf32, #tpu.memory_space<vmem_shared>>
      %dma_start3A_30 = arith.constant 0 : i32
      %dma_start3A_31 = tpu.memref_slice %arg5[%mul3A_0, %dma_start3A_30] : memref<10240x128xf32, #tpu.memory_space<hbm>> -> memref<640x128xf32, #tpu.memory_space<hbm>>
      tpu.enqueue_dma source(%dma_start3A_31 : memref<640x128xf32, #tpu.memory_space<hbm>>) target(%dma_start3A_29 : memref<640x128xf32, #tpu.memory_space<vmem_shared>>) target_semaphore(%run_scoped3A : memref<!tpu.dma_semaphore, #tpu.memory_space<semaphore_mem>>)
      %dma_wait3A_32 = arith.constant 0 : i32
      %dma_wait3A_33 = tpu.memref_slice %arg10[%mul3A_0, %dma_wait3A_32] : memref<10240x128xf32, #tpu.memory_space<vmem_shared>> -> memref<640x128xf32, #tpu.memory_space<vmem_shared>>
      %dma_wait3A_34 = arith.constant 0 : i32
      %dma_wait3A_35 = tpu.memref_slice %arg5[%mul3A_0, %dma_wait3A_34] : memref<10240x128xf32, #tpu.memory_space<hbm>> -> memref<640x128xf32, #tpu.memory_space<hbm>>
      tpu.wait_dma2 semaphore(%run_scoped3A : memref<!tpu.dma_semaphore, #tpu.memory_space<semaphore_mem>>) src(%dma_wait3A_35 : memref<640x128xf32, #tpu.memory_space<hbm>>) dst(%dma_wait3A_33 : memref<640x128xf32, #tpu.memory_space<vmem_shared>>)
      tpu.yield
    }) : () -> ()
    %barrier3A = arith.constant 0 : index
    tpu.barrier barrier_id(%barrier3A)
    "tpu.region"() ({
      %run_scoped3A = tpu.sem_alloc : memref<!tpu.dma_semaphore, #tpu.memory_space<semaphore_mem>>
      %dma_start3A_28 = tpu.memref_slice %arg4[%multiple_of3A_13] : memref<321664xi32, #tpu.memory_space<hbm>> -> memref<128xi32, #tpu.memory_space<hbm>>
      %dma_start3A_29 = tpu.memref_slice %arg4[%multiple_of3A_13] : memref<321664xi32, #tpu.memory_space<hbm>> -> memref<128xi32, #tpu.memory_space<hbm>>
      tpu.enqueue_dma source(%dma_start3A_29 : memref<128xi32, #tpu.memory_space<hbm>>) target(%arg8 : memref<128xi32, #tpu.memory_space<vmem>>) target_semaphore(%run_scoped3A : memref<!tpu.dma_semaphore, #tpu.memory_space<semaphore_mem>>)
      %dma_wait3A_30 = tpu.memref_slice %arg4[%multiple_of3A_13] : memref<321664xi32, #tpu.memory_space<hbm>> -> memref<128xi32, #tpu.memory_space<hbm>>
      %dma_wait3A_31 = tpu.memref_slice %arg4[%multiple_of3A_13] : memref<321664xi32, #tpu.memory_space<hbm>> -> memref<128xi32, #tpu.memory_space<hbm>>
      tpu.wait_dma2 semaphore(%run_scoped3A : memref<!tpu.dma_semaphore, #tpu.memory_space<semaphore_mem>>) src(%dma_wait3A_31 : memref<128xi32, #tpu.memory_space<hbm>>) dst(%arg8 : memref<128xi32, #tpu.memory_space<vmem>>)
      tpu.yield
    }) : () -> ()
    %dma_start3A = arith.constant 0 : i32
    %dma_start3A_14 = arith.constant 0 : i32
    %dma_start3A_15 = tpu.memref_slice %arg10[%dma_start3A, %dma_start3A_14] : memref<10240x128xf32, #tpu.memory_space<vmem_shared>> -> memref<10240x128xf32, #tpu.memory_space<vmem_shared>>
    tpu.enqueue_indirect_dma source(%arg9 : memref<128x128xf32, #tpu.memory_space<vmem>>) target(%dma_start3A_15 : memref<10240x128xf32, #tpu.memory_space<vmem_shared>>) offsets(%arg8 : memref<128xi32, #tpu.memory_space<vmem>>) semaphore(%arg12 : memref<!tpu.dma_semaphore, #tpu.memory_space<semaphore_mem>>) {add = true}
    %while3A = arith.constant 0 : i32
    %while3A_16 = arith.constant 0 : i32
    %while3A_17 = arith.subi %select_n3A, %while3A_16 : i32
    %while3A_18 = arith.addi %while3A_16, %while3A_17 : i32
    %while3A_19 = arith.constant 1 : i32
    %while3A_20 = arith.divsi %while3A_17, %while3A_19 : i32
    %while3A_21 = arith.muli %while3A_20, %while3A_19 : i32
    %while3A_22 = arith.addi %while3A_16, %while3A_21 : i32
    %while3A_23 = arith.constant 1 : i32
    scf.for %while3A_28 = %while3A_16 to %while3A_22 step %while3A_23  : i32 {
      %mul3A_29 = arith.constant 128 : i32
      %mul3A_30 = arith.muli %while3A_28, %mul3A_29 : i32
      %add3A_31 = arith.addi %mul3A_12, %mul3A_30 : i32
      %multiple_of3A_32 = tpu.assume_multiple %add3A_31, 128 : i32
      "tpu.region"() ({
        %run_scoped3A = tpu.sem_alloc : memref<!tpu.dma_semaphore, #tpu.memory_space<semaphore_mem>>
        %dma_start3A_45 = tpu.memref_slice %arg3[%multiple_of3A_32] : memref<321664xi32, #tpu.memory_space<hbm>> -> memref<128xi32, #tpu.memory_space<hbm>>
        %dma_start3A_46 = tpu.memref_slice %arg3[%multiple_of3A_32] : memref<321664xi32, #tpu.memory_space<hbm>> -> memref<128xi32, #tpu.memory_space<hbm>>
        tpu.enqueue_dma source(%dma_start3A_46 : memref<128xi32, #tpu.memory_space<hbm>>) target(%arg7 : memref<128xi32, #tpu.memory_space<vmem>>) target_semaphore(%run_scoped3A : memref<!tpu.dma_semaphore, #tpu.memory_space<semaphore_mem>>)
        %dma_wait3A_47 = tpu.memref_slice %arg3[%multiple_of3A_32] : memref<321664xi32, #tpu.memory_space<hbm>> -> memref<128xi32, #tpu.memory_space<hbm>>
        %dma_wait3A_48 = tpu.memref_slice %arg3[%multiple_of3A_32] : memref<321664xi32, #tpu.memory_space<hbm>> -> memref<128xi32, #tpu.memory_space<hbm>>
        tpu.wait_dma2 semaphore(%run_scoped3A : memref<!tpu.dma_semaphore, #tpu.memory_space<semaphore_mem>>) src(%dma_wait3A_48 : memref<128xi32, #tpu.memory_space<hbm>>) dst(%arg7 : memref<128xi32, #tpu.memory_space<vmem>>)
        tpu.yield
      }) : () -> ()
      %dma_wait3A_33 = arith.constant 0 : i32
      %dma_wait3A_34 = arith.constant 0 : i32
      %dma_wait3A_35 = tpu.memref_slice %arg10[%dma_wait3A_33, %dma_wait3A_34] : memref<10240x128xf32, #tpu.memory_space<vmem_shared>> -> memref<10240x128xf32, #tpu.memory_space<vmem_shared>>
      tpu.wait_indirect_dma semaphore(%arg12 : memref<!tpu.dma_semaphore, #tpu.memory_space<semaphore_mem>>) src(%arg9 : memref<128x128xf32, #tpu.memory_space<vmem>>) dst(%dma_wait3A_35 : memref<10240x128xf32, #tpu.memory_space<vmem_shared>>)
      %dma_start3A_36 = arith.constant 0 : i32
      %dma_start3A_37 = arith.constant 0 : i32
      %dma_start3A_38 = tpu.memref_slice %arg2[%dma_start3A_36, %dma_start3A_37] : memref<10240x128xf32, #tpu.memory_space<hbm>> -> memref<10240x128xf32, #tpu.memory_space<hbm>>
      tpu.enqueue_indirect_dma source(%dma_start3A_38 : memref<10240x128xf32, #tpu.memory_space<hbm>>) target(%arg9 : memref<128x128xf32, #tpu.memory_space<vmem>>) offsets(%arg7 : memref<128xi32, #tpu.memory_space<vmem>>) semaphore(%arg11 : memref<!tpu.dma_semaphore, #tpu.memory_space<semaphore_mem>>)
      "tpu.region"() ({
        %run_scoped3A = tpu.sem_alloc : memref<!tpu.dma_semaphore, #tpu.memory_space<semaphore_mem>>
        %dma_start3A_45 = tpu.memref_slice %arg4[%multiple_of3A_32] : memref<321664xi32, #tpu.memory_space<hbm>> -> memref<128xi32, #tpu.memory_space<hbm>>
        %dma_start3A_46 = tpu.memref_slice %arg4[%multiple_of3A_32] : memref<321664xi32, #tpu.memory_space<hbm>> -> memref<128xi32, #tpu.memory_space<hbm>>
        tpu.enqueue_dma source(%dma_start3A_46 : memref<128xi32, #tpu.memory_space<hbm>>) target(%arg8 : memref<128xi32, #tpu.memory_space<vmem>>) target_semaphore(%run_scoped3A : memref<!tpu.dma_semaphore, #tpu.memory_space<semaphore_mem>>)
        %dma_wait3A_47 = tpu.memref_slice %arg4[%multiple_of3A_32] : memref<321664xi32, #tpu.memory_space<hbm>> -> memref<128xi32, #tpu.memory_space<hbm>>
        %dma_wait3A_48 = tpu.memref_slice %arg4[%multiple_of3A_32] : memref<321664xi32, #tpu.memory_space<hbm>> -> memref<128xi32, #tpu.memory_space<hbm>>
        tpu.wait_dma2 semaphore(%run_scoped3A : memref<!tpu.dma_semaphore, #tpu.memory_space<semaphore_mem>>) src(%dma_wait3A_48 : memref<128xi32, #tpu.memory_space<hbm>>) dst(%arg8 : memref<128xi32, #tpu.memory_space<vmem>>)
        tpu.yield
      }) : () -> ()
      %dma_wait3A_39 = arith.constant 0 : i32
      %dma_wait3A_40 = arith.constant 0 : i32
      %dma_wait3A_41 = tpu.memref_slice %arg2[%dma_wait3A_39, %dma_wait3A_40] : memref<10240x128xf32, #tpu.memory_space<hbm>> -> memref<10240x128xf32, #tpu.memory_space<hbm>>
      tpu.wait_indirect_dma semaphore(%arg11 : memref<!tpu.dma_semaphore, #tpu.memory_space<semaphore_mem>>) src(%dma_wait3A_41 : memref<10240x128xf32, #tpu.memory_space<hbm>>) dst(%arg9 : memref<128x128xf32, #tpu.memory_space<vmem>>)
      %dma_start3A_42 = arith.constant 0 : i32
      %dma_start3A_43 = arith.constant 0 : i32
      %dma_start3A_44 = tpu.memref_slice %arg10[%dma_start3A_42, %dma_start3A_43] : memref<10240x128xf32, #tpu.memory_space<vmem_shared>> -> memref<10240x128xf32, #tpu.memory_space<vmem_shared>>
      tpu.enqueue_indirect_dma source(%arg9 : memref<128x128xf32, #tpu.memory_space<vmem>>) target(%dma_start3A_44 : memref<10240x128xf32, #tpu.memory_space<vmem_shared>>) offsets(%arg8 : memref<128xi32, #tpu.memory_space<vmem>>) semaphore(%arg12 : memref<!tpu.dma_semaphore, #tpu.memory_space<semaphore_mem>>) {add = true}
    }
    %while3A_24 = arith.constant 1 : i32
    scf.for %while3A_28 = %while3A_22 to %while3A_18 step %while3A_24  : i32 {
      %mul3A_29 = arith.constant 128 : i32
      %mul3A_30 = arith.muli %while3A_28, %mul3A_29 : i32
      %add3A_31 = arith.addi %mul3A_12, %mul3A_30 : i32
      %multiple_of3A_32 = tpu.assume_multiple %add3A_31, 128 : i32
      "tpu.region"() ({
        %run_scoped3A = tpu.sem_alloc : memref<!tpu.dma_semaphore, #tpu.memory_space<semaphore_mem>>
        %dma_start3A_45 = tpu.memref_slice %arg3[%multiple_of3A_32] : memref<321664xi32, #tpu.memory_space<hbm>> -> memref<128xi32, #tpu.memory_space<hbm>>
        %dma_start3A_46 = tpu.memref_slice %arg3[%multiple_of3A_32] : memref<321664xi32, #tpu.memory_space<hbm>> -> memref<128xi32, #tpu.memory_space<hbm>>
        tpu.enqueue_dma source(%dma_start3A_46 : memref<128xi32, #tpu.memory_space<hbm>>) target(%arg7 : memref<128xi32, #tpu.memory_space<vmem>>) target_semaphore(%run_scoped3A : memref<!tpu.dma_semaphore, #tpu.memory_space<semaphore_mem>>)
        %dma_wait3A_47 = tpu.memref_slice %arg3[%multiple_of3A_32] : memref<321664xi32, #tpu.memory_space<hbm>> -> memref<128xi32, #tpu.memory_space<hbm>>
        %dma_wait3A_48 = tpu.memref_slice %arg3[%multiple_of3A_32] : memref<321664xi32, #tpu.memory_space<hbm>> -> memref<128xi32, #tpu.memory_space<hbm>>
        tpu.wait_dma2 semaphore(%run_scoped3A : memref<!tpu.dma_semaphore, #tpu.memory_space<semaphore_mem>>) src(%dma_wait3A_48 : memref<128xi32, #tpu.memory_space<hbm>>) dst(%arg7 : memref<128xi32, #tpu.memory_space<vmem>>)
        tpu.yield
      }) : () -> ()
      %dma_wait3A_33 = arith.constant 0 : i32
      %dma_wait3A_34 = arith.constant 0 : i32
      %dma_wait3A_35 = tpu.memref_slice %arg10[%dma_wait3A_33, %dma_wait3A_34] : memref<10240x128xf32, #tpu.memory_space<vmem_shared>> -> memref<10240x128xf32, #tpu.memory_space<vmem_shared>>
      tpu.wait_indirect_dma semaphore(%arg12 : memref<!tpu.dma_semaphore, #tpu.memory_space<semaphore_mem>>) src(%arg9 : memref<128x128xf32, #tpu.memory_space<vmem>>) dst(%dma_wait3A_35 : memref<10240x128xf32, #tpu.memory_space<vmem_shared>>)
      %dma_start3A_36 = arith.constant 0 : i32
      %dma_start3A_37 = arith.constant 0 : i32
      %dma_start3A_38 = tpu.memref_slice %arg2[%dma_start3A_36, %dma_start3A_37] : memref<10240x128xf32, #tpu.memory_space<hbm>> -> memref<10240x128xf32, #tpu.memory_space<hbm>>
      tpu.enqueue_indirect_dma source(%dma_start3A_38 : memref<10240x128xf32, #tpu.memory_space<hbm>>) target(%arg9 : memref<128x128xf32, #tpu.memory_space<vmem>>) offsets(%arg7 : memref<128xi32, #tpu.memory_space<vmem>>) semaphore(%arg11 : memref<!tpu.dma_semaphore, #tpu.memory_space<semaphore_mem>>)
      "tpu.region"() ({
        %run_scoped3A = tpu.sem_alloc : memref<!tpu.dma_semaphore, #tpu.memory_space<semaphore_mem>>
        %dma_start3A_45 = tpu.memref_slice %arg4[%multiple_of3A_32] : memref<321664xi32, #tpu.memory_space<hbm>> -> memref<128xi32, #tpu.memory_space<hbm>>
        %dma_start3A_46 = tpu.memref_slice %arg4[%multiple_of3A_32] : memref<321664xi32, #tpu.memory_space<hbm>> -> memref<128xi32, #tpu.memory_space<hbm>>
        tpu.enqueue_dma source(%dma_start3A_46 : memref<128xi32, #tpu.memory_space<hbm>>) target(%arg8 : memref<128xi32, #tpu.memory_space<vmem>>) target_semaphore(%run_scoped3A : memref<!tpu.dma_semaphore, #tpu.memory_space<semaphore_mem>>)
        %dma_wait3A_47 = tpu.memref_slice %arg4[%multiple_of3A_32] : memref<321664xi32, #tpu.memory_space<hbm>> -> memref<128xi32, #tpu.memory_space<hbm>>
        %dma_wait3A_48 = tpu.memref_slice %arg4[%multiple_of3A_32] : memref<321664xi32, #tpu.memory_space<hbm>> -> memref<128xi32, #tpu.memory_space<hbm>>
        tpu.wait_dma2 semaphore(%run_scoped3A : memref<!tpu.dma_semaphore, #tpu.memory_space<semaphore_mem>>) src(%dma_wait3A_48 : memref<128xi32, #tpu.memory_space<hbm>>) dst(%arg8 : memref<128xi32, #tpu.memory_space<vmem>>)
        tpu.yield
      }) : () -> ()
      %dma_wait3A_39 = arith.constant 0 : i32
      %dma_wait3A_40 = arith.constant 0 : i32
      %dma_wait3A_41 = tpu.memref_slice %arg2[%dma_wait3A_39, %dma_wait3A_40] : memref<10240x128xf32, #tpu.memory_space<hbm>> -> memref<10240x128xf32, #tpu.memory_space<hbm>>
      tpu.wait_indirect_dma semaphore(%arg11 : memref<!tpu.dma_semaphore, #tpu.memory_space<semaphore_mem>>) src(%dma_wait3A_41 : memref<10240x128xf32, #tpu.memory_space<hbm>>) dst(%arg9 : memref<128x128xf32, #tpu.memory_space<vmem>>)
      %dma_start3A_42 = arith.constant 0 : i32
      %dma_start3A_43 = arith.constant 0 : i32
      %dma_start3A_44 = tpu.memref_slice %arg10[%dma_start3A_42, %dma_start3A_43] : memref<10240x128xf32, #tpu.memory_space<vmem_shared>> -> memref<10240x128xf32, #tpu.memory_space<vmem_shared>>
      tpu.enqueue_indirect_dma source(%arg9 : memref<128x128xf32, #tpu.memory_space<vmem>>) target(%dma_start3A_44 : memref<10240x128xf32, #tpu.memory_space<vmem_shared>>) offsets(%arg8 : memref<128xi32, #tpu.memory_space<vmem>>) semaphore(%arg12 : memref<!tpu.dma_semaphore, #tpu.memory_space<semaphore_mem>>) {add = true}
    }
    %dma_wait3A = arith.constant 0 : i32
    %dma_wait3A_25 = arith.constant 0 : i32
    %dma_wait3A_26 = tpu.memref_slice %arg10[%dma_wait3A, %dma_wait3A_25] : memref<10240x128xf32, #tpu.memory_space<vmem_shared>> -> memref<10240x128xf32, #tpu.memory_space<vmem_shared>>
    tpu.wait_indirect_dma semaphore(%arg12 : memref<!tpu.dma_semaphore, #tpu.memory_space<semaphore_mem>>) src(%arg9 : memref<128x128xf32, #tpu.memory_space<vmem>>) dst(%dma_wait3A_26 : memref<10240x128xf32, #tpu.memory_space<vmem_shared>>)
    %barrier3A_27 = arith.constant 0 : index
    tpu.barrier barrier_id(%barrier3A_27)
    "tpu.region"() ({
      %run_scoped3A = tpu.sem_alloc : memref<!tpu.dma_semaphore, #tpu.memory_space<semaphore_mem>>
      %dma_start3A_28 = arith.constant 0 : i32
      %dma_start3A_29 = tpu.memref_slice %arg6[%arg0, %mul3A_0, %dma_start3A_28] : memref<2x10240x128xf32, #tpu.memory_space<hbm>> -> memref<1x640x128xf32, #tpu.memory_space<hbm>>
      %dma_start3A_30 = tpu.memref_squeeze %dma_start3A_29 : memref<1x640x128xf32, #tpu.memory_space<hbm>> -> memref<640x128xf32, #tpu.memory_space<hbm>>
      %dma_start3A_31 = arith.constant 0 : i32
      %dma_start3A_32 = tpu.memref_slice %arg10[%mul3A_0, %dma_start3A_31] : memref<10240x128xf32, #tpu.memory_space<vmem_shared>> -> memref<640x128xf32, #tpu.memory_space<vmem_shared>>
      tpu.enqueue_dma source(%dma_start3A_32 : memref<640x128xf32, #tpu.memory_space<vmem_shared>>) target(%dma_start3A_30 : memref<640x128xf32, #tpu.memory_space<hbm>>) target_semaphore(%run_scoped3A : memref<!tpu.dma_semaphore, #tpu.memory_space<semaphore_mem>>)
      %dma_wait3A_33 = arith.constant 0 : i32
      %dma_wait3A_34 = tpu.memref_slice %arg6[%arg0, %mul3A_0, %dma_wait3A_33] : memref<2x10240x128xf32, #tpu.memory_space<hbm>> -> memref<1x640x128xf32, #tpu.memory_space<hbm>>
      %dma_wait3A_35 = tpu.memref_squeeze %dma_wait3A_34 : memref<1x640x128xf32, #tpu.memory_space<hbm>> -> memref<640x128xf32, #tpu.memory_space<hbm>>
      %dma_wait3A_36 = arith.constant 0 : i32
      %dma_wait3A_37 = tpu.memref_slice %arg10[%mul3A_0, %dma_wait3A_36] : memref<10240x128xf32, #tpu.memory_space<vmem_shared>> -> memref<640x128xf32, #tpu.memory_space<vmem_shared>>
      tpu.wait_dma2 semaphore(%run_scoped3A : memref<!tpu.dma_semaphore, #tpu.memory_space<semaphore_mem>>) src(%dma_wait3A_37 : memref<640x128xf32, #tpu.memory_space<vmem_shared>>) dst(%dma_wait3A_35 : memref<640x128xf32, #tpu.memory_space<hbm>>)
      tpu.yield
    }) : () -> ()
    return
  }
}

module attributes {stable_mosaic.version = 14 : i64} {
  func.func @body(%arg0: i32, %arg1: memref<1x1xf32, #tpu.memory_space<smem>>, %arg2: memref<2x1024x128xf32, #tpu.memory_space<vmem>>, %arg3: memref<1024x128xf32, #tpu.memory_space<vmem>>, %arg4: memref<128x128xf32, #tpu.memory_space<vmem>>, %arg5: memref<1x128xf32, #tpu.memory_space<vmem>>, %arg6: memref<128x128xf32, #tpu.memory_space<vmem>>, %arg7: memref<1x128xf32, #tpu.memory_space<vmem>>, %arg8: memref<1024x128xf32, #tpu.memory_space<vmem>>) attributes {dimension_semantics = [#tpu.dimension_semantics<arbitrary>], iteration_bounds = array<i64: 10>, scalar_prefetch = 0 : i64, scratch_operands = 0 : i64, tpu.core_type = #tpu.core_type<tc>, window_params = [{transform_indices = @transform_0, window_bounds = array<i64: 1, 1>}, {transform_indices = @transform_1, window_bounds = array<i64: 2, 1024, 128>}, {transform_indices = @transform_2, window_bounds = array<i64: 1024, 128>}, {pipeline_mode = #tpu.pipeline_mode<synchronous>, transform_indices = @transform_3, window_bounds = array<i64: 128, 128>}, {pipeline_mode = #tpu.pipeline_mode<synchronous>, transform_indices = @transform_4, window_bounds = array<i64: 1, 128>}, {pipeline_mode = #tpu.pipeline_mode<synchronous>, transform_indices = @transform_5, window_bounds = array<i64: 128, 128>}, {pipeline_mode = #tpu.pipeline_mode<synchronous>, transform_indices = @transform_6, window_bounds = array<i64: 1, 128>}, {transform_indices = @transform_7, window_bounds = array<i64: 1024, 128>}]} {
    %get3A = arith.constant 0 : index
    %get3A_0 = arith.constant 0 : index
    %get3A_1 = arith.constant 0 : index
    %get3A_2 = vector.load %arg2[%get3A, %get3A_0, %get3A_1] : memref<2x1024x128xf32, #tpu.memory_space<vmem>>, vector<1x1024x128xf32>
    %get3A_3 = vector.shape_cast %get3A_2 : vector<1x1024x128xf32> to vector<1024x128xf32>
    %get3A_4 = arith.constant 1 : index
    %get3A_5 = arith.constant 0 : index
    %get3A_6 = arith.constant 0 : index
    %get3A_7 = vector.load %arg2[%get3A_4, %get3A_5, %get3A_6] : memref<2x1024x128xf32, #tpu.memory_space<vmem>>, vector<1x1024x128xf32>
    %get3A_8 = vector.shape_cast %get3A_7 : vector<1x1024x128xf32> to vector<1024x128xf32>
    %add3A = arith.addf %get3A_3, %get3A_8 : vector<1024x128xf32>
    %get3A_9 = arith.constant 0 : index
    %get3A_10 = arith.constant 0 : index
    %get3A_11 = memref.load %arg1[%get3A_9, %get3A_10] : memref<1x1xf32, #tpu.memory_space<smem>>
    %add3A_12 = arith.constant 1.000000e+00 : f32
    %add3A_13 = arith.addf %add3A_12, %get3A_11 : f32
    %get3A_14 = arith.constant 0 : index
    %get3A_15 = arith.constant 0 : index
    %get3A_16 = vector.load %arg3[%get3A_14, %get3A_15] : memref<1024x128xf32, #tpu.memory_space<vmem>>, vector<1024x128xf32>
    %mul3A = vector.broadcast %add3A_13 : f32 to vector<1024x128xf32>
    %mul3A_17 = arith.mulf %mul3A, %get3A_16 : vector<1024x128xf32>
    %add3A_18 = arith.addf %add3A, %mul3A_17 : vector<1024x128xf32>
    %get3A_19 = arith.constant 0 : index
    %get3A_20 = arith.constant 0 : index
    %get3A_21 = vector.load %arg4[%get3A_19, %get3A_20] : memref<128x128xf32, #tpu.memory_space<vmem>>, vector<128x128xf32>
    %dot_general3A = arith.constant dense<0.000000e+00> : vector<1024x128xf32>
    %dot_general3A_22 = tpu.matmul %add3A_18, %get3A_21, %dot_general3A {dimension_numbers = #tpu.dot_dimension_numbers<[1], [0], [0], [1], [0, 0, 1, 1], [], []>, transpose_lhs_hint = false} : vector<1024x128xf32>, vector<128x128xf32>, vector<1024x128xf32> -> vector<1024x128xf32>
    %get3A_23 = arith.constant 0 : index
    %get3A_24 = arith.constant 0 : index
    %get3A_25 = vector.load %arg5[%get3A_23, %get3A_24] : memref<1x128xf32, #tpu.memory_space<vmem>>, vector<1x128xf32>
    %add3A_26 = vector.broadcast %get3A_25 : vector<1x128xf32> to vector<1024x128xf32>
    %add3A_27 = arith.addf %dot_general3A_22, %add3A_26 : vector<1024x128xf32>
    %max3A = arith.constant 0.000000e+00 : f32
    %max3A_28 = vector.broadcast %max3A : f32 to vector<1024x128xf32>
    %max3A_29 = arith.maximumf %add3A_27, %max3A_28 : vector<1024x128xf32>
    %get3A_30 = arith.constant 0 : index
    %get3A_31 = arith.constant 0 : index
    %get3A_32 = vector.load %arg6[%get3A_30, %get3A_31] : memref<128x128xf32, #tpu.memory_space<vmem>>, vector<128x128xf32>
    %dot_general3A_33 = arith.constant dense<0.000000e+00> : vector<1024x128xf32>
    %dot_general3A_34 = tpu.matmul %max3A_29, %get3A_32, %dot_general3A_33 {dimension_numbers = #tpu.dot_dimension_numbers<[1], [0], [0], [1], [0, 0, 1, 1], [], []>, transpose_lhs_hint = false} : vector<1024x128xf32>, vector<128x128xf32>, vector<1024x128xf32> -> vector<1024x128xf32>
    %get3A_35 = arith.constant 0 : index
    %get3A_36 = arith.constant 0 : index
    %get3A_37 = vector.load %arg7[%get3A_35, %get3A_36] : memref<1x128xf32, #tpu.memory_space<vmem>>, vector<1x128xf32>
    %add3A_38 = vector.broadcast %get3A_37 : vector<1x128xf32> to vector<1024x128xf32>
    %add3A_39 = arith.addf %dot_general3A_34, %add3A_38 : vector<1024x128xf32>
    %swap3A = arith.constant 0 : index
    %swap3A_40 = arith.constant 0 : index
    %swap3A_41 = vector.load %arg8[%swap3A, %swap3A_40] : memref<1024x128xf32, #tpu.memory_space<vmem>>, vector<1024x128xf32>
    tpu.vector_store %arg8[%swap3A, %swap3A_40], %add3A_39 {strides = array<i32>} : memref<1024x128xf32, #tpu.memory_space<vmem>>, vector<1024x128xf32>,
    return
  }
  func.func @transform_0(%arg0: i32) -> (i32, i32) {
    %c0_i32 = arith.constant 0 : i32
    %c0_i32_0 = arith.constant 0 : i32
    %c0_i32_1 = arith.constant 0 : i32
    return %c0_i32, %c0_i32_0 : i32, i32
  }
  func.func @transform_1(%arg0: i32) -> (i32, i32, i32) {
    %c0_i32 = arith.constant 0 : i32
    %c0_i32_0 = arith.constant 0 : i32
    %c0_i32_1 = arith.constant 0 : i32
    return %c0_i32, %arg0, %c0_i32_0 : i32, i32, i32
  }
  func.func @transform_2(%arg0: i32) -> (i32, i32) {
    %c0_i32 = arith.constant 0 : i32
    %c0_i32_0 = arith.constant 0 : i32
    return %arg0, %c0_i32 : i32, i32
  }
  func.func @transform_3(%arg0: i32) -> (i32, i32) {
    %c0_i32 = arith.constant 0 : i32
    %c0_i32_0 = arith.constant 0 : i32
    %c0_i32_1 = arith.constant 0 : i32
    return %c0_i32, %c0_i32_0 : i32, i32
  }
  func.func @transform_4(%arg0: i32) -> (i32, i32) {
    %c0_i32 = arith.constant 0 : i32
    %c0_i32_0 = arith.constant 0 : i32
    %c0_i32_1 = arith.constant 0 : i32
    return %c0_i32, %c0_i32_0 : i32, i32
  }
  func.func @transform_5(%arg0: i32) -> (i32, i32) {
    %c0_i32 = arith.constant 0 : i32
    %c0_i32_0 = arith.constant 0 : i32
    %c0_i32_1 = arith.constant 0 : i32
    return %c0_i32, %c0_i32_0 : i32, i32
  }
  func.func @transform_6(%arg0: i32) -> (i32, i32) {
    %c0_i32 = arith.constant 0 : i32
    %c0_i32_0 = arith.constant 0 : i32
    %c0_i32_1 = arith.constant 0 : i32
    return %c0_i32, %c0_i32_0 : i32, i32
  }
  func.func @transform_7(%arg0: i32) -> (i32, i32) {
    %c0_i32 = arith.constant 0 : i32
    %c0_i32_0 = arith.constant 0 : i32
    return %arg0, %c0_i32 : i32, i32
  }
}

module attributes {stable_mosaic.version = 14 : i64} {
  func.func @body(%arg0: i32, %arg1: memref<1x1xf32, #tpu.memory_space<smem>>, %arg2: memref<2x1024x128xf32, #tpu.memory_space<vmem>>, %arg3: memref<1024x128xf32, #tpu.memory_space<vmem>>, %arg4: memref<128x128xf32, #tpu.memory_space<vmem>>, %arg5: memref<1x128xf32, #tpu.memory_space<vmem>>, %arg6: memref<128x128xf32, #tpu.memory_space<vmem>>, %arg7: memref<1x128xf32, #tpu.memory_space<vmem>>, %arg8: memref<1024x128xf32, #tpu.memory_space<vmem>>, %arg9: memref<1024x128xf32, #tpu.memory_space<vmem>>, %arg10: memref<512x128xf32, #tpu.memory_space<vmem>>, %arg11: memref<1x128xf32, #tpu.memory_space<vmem>>, %arg12: memref<1024x128xf32, #tpu.memory_space<vmem>>) attributes {dimension_semantics = [#tpu.dimension_semantics<arbitrary>], iteration_bounds = array<i64: 10>, scalar_prefetch = 0 : i64, scratch_operands = 0 : i64, tpu.core_type = #tpu.core_type<tc>, window_params = [{transform_indices = @transform_0, window_bounds = array<i64: 1, 1>}, {transform_indices = @transform_1, window_bounds = array<i64: 2, 1024, 128>}, {transform_indices = @transform_2, window_bounds = array<i64: 1024, 128>}, {pipeline_mode = #tpu.pipeline_mode<synchronous>, transform_indices = @transform_3, window_bounds = array<i64: 128, 128>}, {pipeline_mode = #tpu.pipeline_mode<synchronous>, transform_indices = @transform_4, window_bounds = array<i64: 1, 128>}, {pipeline_mode = #tpu.pipeline_mode<synchronous>, transform_indices = @transform_5, window_bounds = array<i64: 128, 128>}, {pipeline_mode = #tpu.pipeline_mode<synchronous>, transform_indices = @transform_6, window_bounds = array<i64: 1, 128>}, {transform_indices = @transform_7, window_bounds = array<i64: 1024, 128>}, {transform_indices = @transform_8, window_bounds = array<i64: 1024, 128>}, {pipeline_mode = #tpu.pipeline_mode<synchronous>, transform_indices = @transform_9, window_bounds = array<i64: 512, 128>}, {pipeline_mode = #tpu.pipeline_mode<synchronous>, transform_indices = @transform_10, window_bounds = array<i64: 1, 128>}, {transform_indices = @transform_11, window_bounds = array<i64: 1024, 128>}]} {
    %get3A = arith.constant 0 : index
    %get3A_0 = arith.constant 0 : index
    %get3A_1 = arith.constant 0 : index
    %get3A_2 = vector.load %arg2[%get3A, %get3A_0, %get3A_1] : memref<2x1024x128xf32, #tpu.memory_space<vmem>>, vector<1x1024x128xf32>
    %get3A_3 = vector.shape_cast %get3A_2 : vector<1x1024x128xf32> to vector<1024x128xf32>
    %get3A_4 = arith.constant 1 : index
    %get3A_5 = arith.constant 0 : index
    %get3A_6 = arith.constant 0 : index
    %get3A_7 = vector.load %arg2[%get3A_4, %get3A_5, %get3A_6] : memref<2x1024x128xf32, #tpu.memory_space<vmem>>, vector<1x1024x128xf32>
    %get3A_8 = vector.shape_cast %get3A_7 : vector<1x1024x128xf32> to vector<1024x128xf32>
    %add3A = arith.addf %get3A_3, %get3A_8 : vector<1024x128xf32>
    %get3A_9 = arith.constant 0 : index
    %get3A_10 = arith.constant 0 : index
    %get3A_11 = memref.load %arg1[%get3A_9, %get3A_10] : memref<1x1xf32, #tpu.memory_space<smem>>
    %add3A_12 = arith.constant 1.000000e+00 : f32
    %add3A_13 = arith.addf %add3A_12, %get3A_11 : f32
    %get3A_14 = arith.constant 0 : index
    %get3A_15 = arith.constant 0 : index
    %get3A_16 = vector.load %arg3[%get3A_14, %get3A_15] : memref<1024x128xf32, #tpu.memory_space<vmem>>, vector<1024x128xf32>
    %mul3A = vector.broadcast %add3A_13 : f32 to vector<1024x128xf32>
    %mul3A_17 = arith.mulf %mul3A, %get3A_16 : vector<1024x128xf32>
    %add3A_18 = arith.addf %add3A, %mul3A_17 : vector<1024x128xf32>
    %get3A_19 = arith.constant 0 : index
    %get3A_20 = arith.constant 0 : index
    %get3A_21 = vector.load %arg4[%get3A_19, %get3A_20] : memref<128x128xf32, #tpu.memory_space<vmem>>, vector<128x128xf32>
    %dot_general3A = arith.constant dense<0.000000e+00> : vector<1024x128xf32>
    %dot_general3A_22 = tpu.matmul %add3A_18, %get3A_21, %dot_general3A {dimension_numbers = #tpu.dot_dimension_numbers<[1], [0], [0], [1], [0, 0, 1, 1], [], []>, transpose_lhs_hint = false} : vector<1024x128xf32>, vector<128x128xf32>, vector<1024x128xf32> -> vector<1024x128xf32>
    %get3A_23 = arith.constant 0 : index
    %get3A_24 = arith.constant 0 : index
    %get3A_25 = vector.load %arg5[%get3A_23, %get3A_24] : memref<1x128xf32, #tpu.memory_space<vmem>>, vector<1x128xf32>
    %add3A_26 = vector.broadcast %get3A_25 : vector<1x128xf32> to vector<1024x128xf32>
    %add3A_27 = arith.addf %dot_general3A_22, %add3A_26 : vector<1024x128xf32>
    %max3A = arith.constant 0.000000e+00 : f32
    %max3A_28 = vector.broadcast %max3A : f32 to vector<1024x128xf32>
    %max3A_29 = arith.maximumf %add3A_27, %max3A_28 : vector<1024x128xf32>
    %get3A_30 = arith.constant 0 : index
    %get3A_31 = arith.constant 0 : index
    %get3A_32 = vector.load %arg6[%get3A_30, %get3A_31] : memref<128x128xf32, #tpu.memory_space<vmem>>, vector<128x128xf32>
    %dot_general3A_33 = arith.constant dense<0.000000e+00> : vector<1024x128xf32>
    %dot_general3A_34 = tpu.matmul %max3A_29, %get3A_32, %dot_general3A_33 {dimension_numbers = #tpu.dot_dimension_numbers<[1], [0], [0], [1], [0, 0, 1, 1], [], []>, transpose_lhs_hint = false} : vector<1024x128xf32>, vector<128x128xf32>, vector<1024x128xf32> -> vector<1024x128xf32>
    %get3A_35 = arith.constant 0 : index
    %get3A_36 = arith.constant 0 : index
    %get3A_37 = vector.load %arg7[%get3A_35, %get3A_36] : memref<1x128xf32, #tpu.memory_space<vmem>>, vector<1x128xf32>
    %add3A_38 = vector.broadcast %get3A_37 : vector<1x128xf32> to vector<1024x128xf32>
    %add3A_39 = arith.addf %dot_general3A_34, %add3A_38 : vector<1024x128xf32>
    %get3A_40 = arith.constant 0 : index
    %get3A_41 = arith.constant 0 : index
    %get3A_42 = vector.load %arg8[%get3A_40, %get3A_41] : memref<1024x128xf32, #tpu.memory_space<vmem>>, vector<1024x128xf32>
    %get3A_43 = arith.constant 0 : index
    %get3A_44 = arith.constant 0 : index
    %get3A_45 = vector.load %arg10[%get3A_43, %get3A_44] : memref<512x128xf32, #tpu.memory_space<vmem>>, vector<128x128xf32>
    %dot_general3A_46 = arith.constant dense<0.000000e+00> : vector<1024x128xf32>
    %dot_general3A_47 = tpu.matmul %get3A_42, %get3A_45, %dot_general3A_46 {dimension_numbers = #tpu.dot_dimension_numbers<[1], [0], [0], [1], [0, 0, 1, 1], [], []>, transpose_lhs_hint = false} : vector<1024x128xf32>, vector<128x128xf32>, vector<1024x128xf32> -> vector<1024x128xf32>
    %get3A_48 = arith.constant 0 : index
    %get3A_49 = arith.constant 0 : index
    %get3A_50 = vector.load %arg9[%get3A_48, %get3A_49] : memref<1024x128xf32, #tpu.memory_space<vmem>>, vector<1024x128xf32>
    %get3A_51 = arith.constant 128 : index
    %get3A_52 = arith.constant 0 : index
    %get3A_53 = vector.load %arg10[%get3A_51, %get3A_52] : memref<512x128xf32, #tpu.memory_space<vmem>>, vector<128x128xf32>
    %dot_general3A_54 = arith.constant dense<0.000000e+00> : vector<1024x128xf32>
    %dot_general3A_55 = tpu.matmul %get3A_50, %get3A_53, %dot_general3A_54 {dimension_numbers = #tpu.dot_dimension_numbers<[1], [0], [0], [1], [0, 0, 1, 1], [], []>, transpose_lhs_hint = false} : vector<1024x128xf32>, vector<128x128xf32>, vector<1024x128xf32> -> vector<1024x128xf32>
    %add3A_56 = arith.addf %dot_general3A_47, %dot_general3A_55 : vector<1024x128xf32>
    %get3A_57 = arith.constant 0 : index
    %get3A_58 = arith.constant 0 : index
    %get3A_59 = vector.load %arg3[%get3A_57, %get3A_58] : memref<1024x128xf32, #tpu.memory_space<vmem>>, vector<1024x128xf32>
    %get3A_60 = arith.constant 256 : index
    %get3A_61 = arith.constant 0 : index
    %get3A_62 = vector.load %arg10[%get3A_60, %get3A_61] : memref<512x128xf32, #tpu.memory_space<vmem>>, vector<128x128xf32>
    %dot_general3A_63 = arith.constant dense<0.000000e+00> : vector<1024x128xf32>
    %dot_general3A_64 = tpu.matmul %get3A_59, %get3A_62, %dot_general3A_63 {dimension_numbers = #tpu.dot_dimension_numbers<[1], [0], [0], [1], [0, 0, 1, 1], [], []>, transpose_lhs_hint = false} : vector<1024x128xf32>, vector<128x128xf32>, vector<1024x128xf32> -> vector<1024x128xf32>
    %add3A_65 = arith.addf %add3A_56, %dot_general3A_64 : vector<1024x128xf32>
    %get3A_66 = arith.constant 384 : index
    %get3A_67 = arith.constant 0 : index
    %get3A_68 = vector.load %arg10[%get3A_66, %get3A_67] : memref<512x128xf32, #tpu.memory_space<vmem>>, vector<128x128xf32>
    %dot_general3A_69 = arith.constant dense<0.000000e+00> : vector<1024x128xf32>
    %dot_general3A_70 = tpu.matmul %add3A_39, %get3A_68, %dot_general3A_69 {dimension_numbers = #tpu.dot_dimension_numbers<[1], [0], [0], [1], [0, 0, 1, 1], [], []>, transpose_lhs_hint = false} : vector<1024x128xf32>, vector<128x128xf32>, vector<1024x128xf32> -> vector<1024x128xf32>
    %add3A_71 = arith.addf %add3A_65, %dot_general3A_70 : vector<1024x128xf32>
    %get3A_72 = arith.constant 0 : index
    %get3A_73 = arith.constant 0 : index
    %get3A_74 = vector.load %arg11[%get3A_72, %get3A_73] : memref<1x128xf32, #tpu.memory_space<vmem>>, vector<1x128xf32>
    %add3A_75 = vector.broadcast %get3A_74 : vector<1x128xf32> to vector<1024x128xf32>
    %add3A_76 = arith.addf %add3A_71, %add3A_75 : vector<1024x128xf32>
    %swap3A = arith.constant 0 : index
    %swap3A_77 = arith.constant 0 : index
    %swap3A_78 = vector.load %arg12[%swap3A, %swap3A_77] : memref<1024x128xf32, #tpu.memory_space<vmem>>, vector<1024x128xf32>
    tpu.vector_store %arg12[%swap3A, %swap3A_77], %add3A_76 {strides = array<i32>} : memref<1024x128xf32, #tpu.memory_space<vmem>>, vector<1024x128xf32>,
    return
  }
  func.func @transform_0(%arg0: i32) -> (i32, i32) {
    %c0_i32 = arith.constant 0 : i32
    %c0_i32_0 = arith.constant 0 : i32
    %c0_i32_1 = arith.constant 0 : i32
    return %c0_i32, %c0_i32_0 : i32, i32
  }
  func.func @transform_1(%arg0: i32) -> (i32, i32, i32) {
    %c0_i32 = arith.constant 0 : i32
    %c0_i32_0 = arith.constant 0 : i32
    %c0_i32_1 = arith.constant 0 : i32
    return %c0_i32, %arg0, %c0_i32_0 : i32, i32, i32
  }
  func.func @transform_2(%arg0: i32) -> (i32, i32) {
    %c0_i32 = arith.constant 0 : i32
    %c0_i32_0 = arith.constant 0 : i32
    return %arg0, %c0_i32 : i32, i32
  }
  func.func @transform_3(%arg0: i32) -> (i32, i32) {
    %c0_i32 = arith.constant 0 : i32
    %c0_i32_0 = arith.constant 0 : i32
    %c0_i32_1 = arith.constant 0 : i32
    return %c0_i32, %c0_i32_0 : i32, i32
  }
  func.func @transform_4(%arg0: i32) -> (i32, i32) {
    %c0_i32 = arith.constant 0 : i32
    %c0_i32_0 = arith.constant 0 : i32
    %c0_i32_1 = arith.constant 0 : i32
    return %c0_i32, %c0_i32_0 : i32, i32
  }
  func.func @transform_5(%arg0: i32) -> (i32, i32) {
    %c0_i32 = arith.constant 0 : i32
    %c0_i32_0 = arith.constant 0 : i32
    %c0_i32_1 = arith.constant 0 : i32
    return %c0_i32, %c0_i32_0 : i32, i32
  }
  func.func @transform_6(%arg0: i32) -> (i32, i32) {
    %c0_i32 = arith.constant 0 : i32
    %c0_i32_0 = arith.constant 0 : i32
    %c0_i32_1 = arith.constant 0 : i32
    return %c0_i32, %c0_i32_0 : i32, i32
  }
  func.func @transform_7(%arg0: i32) -> (i32, i32) {
    %c0_i32 = arith.constant 0 : i32
    %c0_i32_0 = arith.constant 0 : i32
    return %arg0, %c0_i32 : i32, i32
  }
  func.func @transform_8(%arg0: i32) -> (i32, i32) {
    %c0_i32 = arith.constant 0 : i32
    %c0_i32_0 = arith.constant 0 : i32
    return %arg0, %c0_i32 : i32, i32
  }
  func.func @transform_9(%arg0: i32) -> (i32, i32) {
    %c0_i32 = arith.constant 0 : i32
    %c0_i32_0 = arith.constant 0 : i32
    %c0_i32_1 = arith.constant 0 : i32
    return %c0_i32, %c0_i32_0 : i32, i32
  }
  func.func @transform_10(%arg0: i32) -> (i32, i32) {
    %c0_i32 = arith.constant 0 : i32
    %c0_i32_0 = arith.constant 0 : i32
    %c0_i32_1 = arith.constant 0 : i32
    return %c0_i32, %c0_i32_0 : i32, i32
  }
  func.func @transform_11(%arg0: i32) -> (i32, i32) {
    %c0_i32 = arith.constant 0 : i32
    %c0_i32_0 = arith.constant 0 : i32
    return %arg0, %c0_i32 : i32, i32
  }
}

</mosaic_0001>

<sc_bundles>
// kernel: kernel.11.cloned.1.call-start
scs
__scs_entry_jumppad:
0x0: {  	(pc) =	sbr.rel $0x88, $3  }
0x1: {  	(tag) =	ssettag $0x0;
	lr =	simm.s32 $0x1  }
0x2: {  	[smem:$0x3F8E] =	sst lr;
	_ =	strace $0xD0000000  }
0x3: {  	_ = 	snop  }
0x4: {  	_ = 	snop  }
0x5: {  	_ = 	snop  }
0x6: {  	_ = 	snop  }
0x7: {  	_ = 	snop  }
__scs_overlays_trampoline_lowered:
0x8: {  	[smem:$0x3F9D] =	sst s0  }
0x9: {  	[smem:$0x3F9E] =	sst s1  }
0xa: {  	[smem:$0x3F9F] =	sst s2  }
0xb: {  	[smem:$0x3FA0] =	sst s3  }
0xc: {  	[smem:$0x3FA1] =	sst s4  }
0xd: {  	[smem:$0x3FA2] =	sst s5  }
0xe: {  	[smem:$0x3FA3] =	sst s6  }
0xf: {  	[smem:$0x3FA4] =	sst s7  }
0x10: {  	[smem:$0x3FA5] =	sst s8  }
0x11: {  	[smem:$0x3FA6] =	sst s9;
	s0 =	simm.s32 @!p0 $0x0  }
0x12: {  	s1 =	sld [smem:$0x3F8C];
	s0 =	simm.s32 @p0 $0x1  }
0x13: {  	[smem:$0x3FA7] =	sst s0;
	s0 =	simm.s32 @!p1 $0x0  }
0x14: {  	s2 =	sld [smem:$0x3F8B];
	s0 =	simm.s32 @p1 $0x1  }
0x15: {  	[smem:$0x3FA8] =	sst s0;
	s0 =	simm.s32 @!p2 $0x0  }
0x16: {  	s3 =	sld [smem:$0x3FDB];
	s0 =	simm.s32 @p2 $0x1  }
0x17: {  	s4 =	simm.s32 $0x1BF5;
	[smem:$0x3FAA] =	sst s0  }
0x18: {  	s0 =	sld [smem:$0x3F8D];
	_ =	swait.ge [sflag:s4], $0x0  }
0x19: {  	s7 =	sld [smem:$0x3F8E]  }
0x1a: {  	s8 =	sadd.s32 $0xFFFFE003, lr  }
0x1b: {  	s9 =	sadd.s32 $0xFFFFFEF7, lr;
	s5 =	simm.s32 $0xFFFFFFFF;
	p2 =	slt.u32 s8, $0xFFFFF086  }
0x1c: {  	p1 =	slt.u32 s9, $0xF7A;
	s5 =	simm.s32 @!p2 $0x0  }
0x1d: {  	s5 =	simm.s32 @p1 $0x1;
	p0 =	seq.s32 s7, s2  }
0x1e: {  	s7 =	smul.u32 @!p0 $0xF7A, s2;
	p2 =	seq.s32 @!p0 s5, $0x0  }
0x1f: {  	s9 =	smul.u32 $0xF7A, s1;
	s8 =	simm.s32 @!p0 $0x1BF5;
	p2 =	por !p2, p0  }
0x20: {  	[sflag:s8] =	ssyncset.s32 @!p0 $0xFFFFF086;
	s6 =	sadd.s32 @!p0 s3, s7;
	s7 =	simm.s32 @!p0 $0x108  }
0x21: {  	s3 =	sadd.s32 s3, s9;
	s6 =	sadd.s32 @!p0 $0x88, s6;
	s7 =	simm.s32 @p2 $0x1082  }
0x22: {  	[simem:s7], [sflag:s8] =	dma.local @!p0 [hbm:s6], $0xF7A  }
0x23: {  	s9 =	sor.u32 $0xD0000000, s2;
	s6 =	simm.s32 $0x108;
	_ =	swait.ge @!p0 [sflag:s8], $0x0  }
0x24: {  	s3 =	sadd.s32 $0x88, s3;
	s6 =	simm.s32 @!p1 $0x1082;
	[sflag:s4] =	ssyncset.s32 $0xFFFFF086  }
0x25: {  	[simem:s6], [sflag:s4] =	dma.local [hbm:s3], $0xF7A  }
0x26: {  	[smem:$0x3F8E] =	sst s1;
	(tag) =	ssettag s2;
	_ =	strace s9  }
0x27: {  	s1 =	sld [smem:$0x3F9E]  }
0x28: {  	s2 =	sld [smem:$0x3F9F]  }
0x29: {  	s4 =	sld [smem:$0x3FA1]  }
0x2a: {  	p0 =	seq.s32 s5, $0x0;
	s5 =	sld [smem:$0x3FA2]  }
0x2b: {  	s6 =	sld [smem:$0x3FA3]  }
0x2c: {  	s7 =	sld [smem:$0x3FA4]  }
0x2d: {  	s3 =	simm.s32 $0x108;
	s8 =	sld [smem:$0x3FA5]  }
0x2e: {  	s3 =	simm.s32 @!p0 $0x1082;
	s9 =	sld [smem:$0x3FA6]  }
0x2f: {  	lr =	sadd.s32 s0, s3;
	s0 =	sld [smem:$0x3F9D]  }
0x30: {  	s3 =	sld [smem:$0x3FA0]  }
0x31: {  	[smem:$0x3FA9] =	sst s10  }
0x32: {  	s10 =	sld [smem:$0x3FA7];
	_ =	sdelay $0x3  }
0x33: {  	p0 =	seq.s32 s10, $0x1;
	s10 =	sld [smem:$0x3FA9];
	_ =	sdelay $0x3  }
0x34: {  	[smem:$0x3FA9] =	sst s10  }
0x35: {  	s10 =	sld [smem:$0x3FA8];
	_ =	sdelay $0x3  }
0x36: {  	p1 =	seq.s32 s10, $0x1;
	s10 =	sld [smem:$0x3FA9];
	_ =	sdelay $0x3  }
0x37: {  	[smem:$0x3FA9] =	sst s10  }
0x38: {  	s10 =	sld [smem:$0x3FAA]  }
0x39: {  	_ = 	snop;
	(pc) =	sbr.ind lr, $3  }
0x3a: {  	_ = 	snop  }
0x3b: {  	_ = 	snop  }
0x3c: {  	p2 =	seq.s32 s10, $0x1;
	s10 =	sld [smem:$0x3FA9]  }
0x3d: {  	_ =	shalt  }
0x3e: {  	_ =	shalt  }
0x3f: {  	_ =	shalt  }
0x40: {  	_ =	shalt  }
0x41: {  	_ =	shalt  }
0x42: {  	_ =	shalt  }
0x43: {  	_ =	shalt  }
0x44: {  	_ =	shalt  }
0x45: {  	_ =	shalt  }
0x46: {  	_ =	shalt  }
0x47: {  	_ =	shalt  }
0x48: {  	_ =	shalt  }
0x49: {  	_ =	shalt  }
0x4a: {  	_ =	shalt  }
0x4b: {  	_ =	shalt  }
0x4c: {  	_ =	shalt  }
0x4d: {  	_ =	shalt  }
0x4e: {  	_ =	shalt  }
0x4f: {  	_ =	shalt  }
0x50: {  	_ =	shalt  }
0x51: {  	_ =	shalt  }
0x52: {  	_ =	shalt  }
0x53: {  	_ =	shalt  }
0x54: {  	_ =	shalt  }
0x55: {  	_ =	shalt  }
0x56: {  	_ =	shalt  }
0x57: {  	_ =	shalt  }
0x58: {  	_ =	shalt  }
0x59: {  	_ =	shalt  }
0x5a: {  	_ =	shalt  }
0x5b: {  	_ =	shalt  }
0x5c: {  	_ =	shalt  }
0x5d: {  	_ =	shalt  }
0x5e: {  	_ =	shalt  }
0x5f: {  	_ =	shalt  }
0x60: {  	_ =	shalt  }
0x61: {  	_ =	shalt  }
0x62: {  	_ =	shalt  }
0x63: {  	_ =	shalt  }
0x64: {  	_ =	shalt  }
0x65: {  	_ =	shalt  }
0x66: {  	_ =	shalt  }
0x67: {  	_ =	shalt  }
0x68: {  	_ =	shalt  }
0x69: {  	_ =	shalt  }
0x6a: {  	_ =	shalt  }
0x6b: {  	_ =	shalt  }
0x6c: {  	_ =	shalt  }
0x6d: {  	_ =	shalt  }
0x6e: {  	_ =	shalt  }
0x6f: {  	_ =	shalt  }
0x70: {  	_ =	shalt  }
0x71: {  	_ =	shalt  }
0x72: {  	_ =	shalt  }
0x73: {  	_ =	shalt  }
0x74: {  	_ =	shalt  }
0x75: {  	_ =	shalt  }
0x76: {  	_ =	shalt  }
0x77: {  	_ =	shalt  }
0x78: {  	_ =	shalt  }
0x79: {  	_ =	shalt  }
0x7a: {  	_ =	shalt  }
0x7b: {  	_ =	shalt  }
0x7c: {  	_ =	shalt  }
0x7d: {  	_ =	shalt  }
0x7e: {  	_ =	shalt  }
0x7f: {  	_ =	shalt  }
0x80: {  	_ =	shalt  }
0x81: {  	_ =	shalt  }
0x82: {  	_ =	shalt  }
0x83: {  	_ =	shalt  }
0x84: {  	_ =	shalt  }
0x85: {  	_ =	shalt  }
0x86: {  	_ =	shalt  }
0x87: {  	_ =	shalt  }
.Lfunc_end0:
.L_simem_size_0:
called_computation.1_lowered:
.L_overlay_start_0:
0x88: {  	s2 =	sld [smem:$0x3FD9]  }
0x89: {  	s3 =	sld [smem:$0x3FFE];
	_ =	sdelay $0x1  }
0x8a: {  	s1 =	srdreg.scid  }
0x8b: {  	s0 =	sand.u32 $0x1, s1  }
0x8c: {  	s17 =	sshll.u32 s0, $0xA;
	s2 =	sadd.s32 s3, s2  }
0x8d: {  	s2 =	sadd.s32 s2, s17  }
0x8e: {  	[smem:$0x3FB5] =	sst s2  }
0x8f: {  	_ = 	snop  }
0x90: {  	s2 =	sld [smem:$0x3FD0];
	(tm) =	ssettm $0x1  }
0x91: {  	s18 =	sld [smem:$0x3FFB];
	_ =	sdelay $0x3  }
0x92: {  	_ =	strace s18  }
0x93: {  	s3 =	sld [smem:$0x3FFC];
	_ =	sdelay $0x3  }
0x94: {  	_ =	strace s3  }
0x95: {  	s3 =	sld [smem:$0x3FFD];
	_ =	sdelay $0x3  }
0x96: {  	_ =	strace s3  }
0x97: {  	_ =	strace $0x8FFFFFFF  }
0x98: {  	s19 =	sld [smem:$0x3FDB];
	_ =	sdelay $0x1  }
0x99: {  	s4 =	simm.s32 $_scs_section_size  }
0x9a: {  	s5 =	simm.s32 $_size__tile_overlayer_lowered;
	s6 =	simm.s32 $_tile_overlayer_lowered  }
0x9b: {  	s22 =	simm.s32 $0x1BFF;
	s21 =	sshll.u32 s6, $0x1;
	s3 =	sadd.s32 s4, s19  }
0x9c: {  	s7 =	simm.s32 $0x0;
	s20 =	sshll.u32 s5, $0x1;
	s5 =	sadd.s32 s21, s3  }
0x9d: {  	[timem:s7], [sflag:s22] =	dma.local [hbm:s5], s20  }
0x9e: {  	_ =	swait.ge [sflag:s22], s20  }
0x9f: {  	s4 =	ssub.s32 $0x0, s20;
	[sflag:s22] =	ssyncset.done $0x0  }
0xa0: {  	[sflag:s22] =	ssyncadd.s32 s4;
	_ =	sdelay $0x1  }
0xa1: {  	s23 =	simm.s32 $0x1B8B  }
0xa2: {  	_ =	swait.ge [sflag:s23], $0x1  }
0xa3: {  	[sflag:s23] =	ssyncset.done $0x0  }
0xa4: {  	s25 =	simm.s32 $0x1B8E;
	s24 =	sld [smem:$0x3FFE];
	[sflag:s23] =	ssyncadd.s32 $0xFFFFFFFF  }
0xa5: {  	s26 =	simm.s32 $execute0_lowered;
	[smem:$0x3FD2] =	sst s25  }
0xa6: {  	s5 =	sshll.u32 s26, $0x1;
	_ =	strace $0x80000049;
	[dreg:$0x1] =	wrdreg $0xFFFFFFFF  }
0xa7: {  	s28 =	simm.s32 $_size_execute0_lowered;
	s3 =	sadd.s32 s3, s5;
	[dreg:$0x0] =	wrdreg $0x0  }
0xa8: {  	s5 =	sshll.u32 s28, $0x1;
	[dreg:$0x2] =	wrdreg s3  }
0xa9: {  	[dreg:$0x3] =	wrdreg s5  }
0xaa: {  	[dreg:$0x4] =	wrdreg $0xC0  }
0xab: {  	_ =	task [dreg:s7], $0x5FFFF  }
0xac: {  	[dreg:$0x1] =	wrdreg $0xFFFFFFFF  }
0xad: {  	[dreg:$0x0] =	wrdreg $0x60  }
0xae: {  	[dreg:$0x2] =	wrdreg s24  }
0xaf: {  	[dreg:$0x3] =	wrdreg s2  }
0xb0: {  	[dreg:$0x4] =	wrdreg $0x41000  }
0xb1: {  	[dreg:$0x5] =	wrdreg $0x9  }
0xb2: {  	_ =	task.clear_ibuf [dreg:s7], $0x6FFFF;
	_ =	strace $0x90000049  }
0xb3: {  	s29 =	simm.s32 $0x9;
	_ =	strace $0x8000004B  }
0xb4: {  	_ =	swait.ge [sflag:s29], $0x1  }
0xb5: {  	[sflag:s29] =	ssyncadd.s32 $0xFFFFFFFF  }
0xb6: {  	_ =	strace $0x9000004B  }
0xb7: {  	_ =	sfence  }
0xb8: {  	s30 =	sld [smem:$0x0];
	_ =	sdelay $0x2  }
0xb9: {  	s31 =	sshll.u32 s1, $0xD;
	s1 =	sshrl.u32 s1, $0x2  }
0xba: {  	s3 =	sand.u32 $0x4000, s31;
	s1 =	sadd.s32 s1, s30  }
0xbb: {  	s0 =	sor.u32 s3, s0;
	s1 =	sshll.u32 s1, $0x11  }
0xbc: {  	s0 =	sor.u32 s1, s0  }
0xbd: {  	s0 =	sadd.s32 $0x8F2B, s0  }
0xbe: {  	[sflag:s0] =	ssyncadd.remote.s32 $0x1  }
0xbf: {  	_ =	sfence.sel $0xFFFF  }
0xc0: {  	[dreg:$0x0] =	wrdreg $0xFFFFFFFF;
	(pc) =	sbr.abs _section_cstart, $3  }
0xc1: {  	[dreg:$0x1] =	wrdreg $0xFFFFFFFF  }
0xc2: {  	_ =	task.clear_ibuf [dreg:s7], $0x2FFFF;
	_ =	strace $0x9FFFFFFF  }
0xc3: {  	(tm) =	ssettm $0x7FFFFFFF  }
tec
execute0_lowered:
.L_overlay_start_1:
0x0: {  	(tag) =	ssettag $0x1  }
0x1: {  	s8 =	rddreg [dreg:$0x0]  }
0x2: {  	s12 =	rddreg [dreg:$0x1]  }
0x3: {  	s2 =	rddreg [dreg:$0x2]  }
0x4: {  	s0 =	rddreg [dreg:$0x3]  }
0x5: {  	s1 =	stileid.u32;
	s4 =	srdreg.scid  }
0x6: {  	s3 =	simm.s32 $0x0;
	s17 =	simm.s32 $0x2;
	s5 =	smul.u32 $0x3F, s1  }
0x7: {  	s18 =	simm.s32 $0x1;
	s6 =	sand.u32 $0x1, s4;
	s4 =	smul.u32 $0x5E, s1  }
0x8: {  	s19 =	simm.s32 $0x0;
	[smem:$0x7FF] =	sst s3;
	s7 =	smul.u32 $0x14000, s1  }
0x9: {  	s10 =	smul.u32 $0x50000, s1;
	s31 =	sshll.u32 s1, $0x6;
	p0 =	seq.s32 s6, $0x0  }
0xa: {  	_ =	strace $0x8000004A;
	s28 =	smul.u32 $0x140000, s6;
	s6 =	ssub.s32 $0x2, s6  }
0xb: {  	s5 =	sadd.s32 $0x5E0, s5;
	s9 =	sshrl.u32 s7, $0x3;
	s29 =	sshrl.u32 s6, $0x1  }
0xc: {  	s30 =	sshrl.u32 s10, $0x2;
	s5 =	smov.u32 @p0 s4;
	s4 =	sadd.s32 $0xD400, s8  }
0xd: {  	s9 =	sadd.s32 s9, s8;
	s15 =	ssub.s32 s6, s29;
	s16 =	sadd.s32 s30, s2  }
0xe: {  	s13 =	sshll.u32 s5, $0x4;
	s5 =	sadd.s32 s7, s28;
	s6 =	sadd.s32 $0x35400, s9  }
0xf: {  	s7 =	sor.u32 $0x1C03, s31;
	s10 =	smax.u32 s15, $0x1;
	s15 =	simm.s32 $0x80  }
0x10: {  	s11 =	sadd.s32 s13, s8;
	s5 =	sshrl.u32 s5, $0x3;
	s12 =	sadd.s32 s13, s12  }
0x11: {  	s13 =	sshrl.u32 s16, $0x3;
	s16 =	simm.s32 $0x100;
	s14 =	sadd.s32 s5, s8  }
0x12: {  	s5 =	simm.s32 $0x5E;
	s8 =	sadd.s32 $0xD300, s8;
	s11 =	sadd.s32 $0x3600, s11  }
0x13: {  	s5 =	simm.s32 @!p0 $0x3F;
	s9 =	sadd.s32 $0x5D400, s14;
	s14 =	simm.s32 $0x3  }
.LBB2_1:
0x14: {  	[spmem:s13], [sflag:s7] =	dma.local [hbm:s6], $0x2800  }
0x15: {  	_ =	swait.ge [sflag:s14], $0x2800  }
0x16: {  	[sflag:s14] =	ssyncset.done $0x0  }
0x17: {  	[sflag:s14] =	ssyncadd.s32 $0xFFFFD800  }
0x18: {  	[bflag:$0x0] =	sbarrier.arrive $0xFFFF  }
0x19: {  	[tilespmem:s15], [sflag:$0x3] =	stream.linear.gather [hbm4b:s8+s3], $0x80, $0x38;
	[tilespmem:$0x18100] =	vst v63  }
0x1a: {  	_ =	swait.ge [sflag:s14], $0x80  }
0x1b: {  	[sflag:s14] =	ssyncset.done $0x0  }
0x1c: {  	[sflag:s14] =	ssyncadd.s32 $0xFFFFFF80  }
0x1d: {  	[spmem:s2] =	stream.indirect.scatter.add.f32 [tilespmem:s16], [sflag:$0x2], $0x80, s15, s15, $0xb8;
	[tilespmem:$0x18100] =	vst v63  }
0x1e: {  	_ = 	snop  }
0x1f: {  	[tilespmem:s3], [sflag:$0x3] =	stream.linear.gather [hbm4b:s12+s3], $0x80, $0x38;
	[tilespmem:$0x18100] =	vst v63  }
0x20: {  	_ =	swait.ge [sflag:s14], $0x80  }
0x21: {  	[sflag:s14] =	ssyncset.done $0x0  }
0x22: {  	[sflag:s14] =	ssyncadd.s32 $0xFFFFFF80  }
0x23: {  	_ =	swait.ge [sflag:s17], $0x4000  }
0x24: {  	[sflag:s17] =	ssyncset.done $0x0  }
0x25: {  	[sflag:s17] =	ssyncadd.s32 $0xFFFFC000  }
0x26: {  	[tilespmem:s16], [sflag:$0x1] =	stream.indirect.gather [hbm4b:s4+s15], $0x80, s3, s15, $0xb8;
	[tilespmem:$0x18100] =	vst v63  }
0x27: {  	_ = 	snop  }
0x28: {  	[tilespmem:s15], [sflag:$0x3] =	stream.linear.gather [hbm4b:s11+s3], $0x80, $0x38;
	[tilespmem:$0x18100] =	vst v63  }
0x29: {  	p0 =	sne.s32 s5, $0x1;
	_ =	swait.ge [sflag:s14], $0x80  }
.Ltmp0:
0x2a: {  	[sflag:s14] =	ssyncset.done $0x0;
	(pc) =	sbr.rel @!p0 .LBB2_3-.Ltmp0, $4  }
0x2b: {  	[sflag:s14] =	ssyncadd.s32 $0xFFFFFF80  }
0x2c: {  	_ =	swait.ge [sflag:s18], $0x4000  }
0x2d: {  	s20 =	sadd.s32 $0xFFFFFFFF, s5;
	[sflag:s18] =	ssyncset.done $0x0  }
0x2e: {  	s21 =	sadd.s32 $0x10, s11;
	s22 =	sadd.s32 $0x10, s12;
	[sflag:s18] =	ssyncadd.s32 $0xFFFFC000  }
.LBB2_2:
0x2f: {  	[spmem:s2] =	stream.indirect.scatter.add.f32 [tilespmem:s16], [sflag:$0x2], $0x80, s15, s15, $0xb8;
	[tilespmem:$0x18100] =	vst v63  }
0x30: {  	p0 =	sne.s32 s20, $0x1;
	s20 =	sadd.s32 $0xFFFFFFFF, s20  }
0x31: {  	[tilespmem:s3], [sflag:$0x3] =	stream.linear.gather [hbm4b:s22+s3], $0x80, $0x38;
	[tilespmem:$0x18100] =	vst v63  }
0x32: {  	_ =	swait.ge [sflag:s14], $0x80  }
0x33: {  	[sflag:s14] =	ssyncset.done $0x0  }
0x34: {  	[sflag:s14] =	ssyncadd.s32 $0xFFFFFF80  }
0x35: {  	_ =	swait.ge [sflag:s17], $0x4000  }
0x36: {  	[sflag:s17] =	ssyncset.done $0x0  }
0x37: {  	[sflag:s17] =	ssyncadd.s32 $0xFFFFC000  }
0x38: {  	[tilespmem:s16], [sflag:$0x1] =	stream.indirect.gather [hbm4b:s4+s15], $0x80, s3, s15, $0xb8;
	[tilespmem:$0x18100] =	vst v63  }
0x39: {  	_ = 	snop  }
0x3a: {  	[tilespmem:s15], [sflag:$0x3] =	stream.linear.gather [hbm4b:s21+s3], $0x80, $0x38;
	[tilespmem:$0x18100] =	vst v63  }
0x3b: {  	_ =	swait.ge [sflag:s14], $0x80  }
.Ltmp1:
0x3c: {  	[sflag:s14] =	ssyncset.done $0x0;
	(pc) =	sbr.rel @p0 .LBB2_2-.Ltmp1, $4  }
0x3d: {  	[sflag:s14] =	ssyncadd.s32 $0xFFFFFF80  }
0x3e: {  	_ =	swait.ge [sflag:s18], $0x4000  }
0x3f: {  	[sflag:s18] =	ssyncset.done $0x0  }
0x40: {  	s22 =	sadd.s32 $0x10, s22;
	s21 =	sadd.s32 $0x10, s21;
	[sflag:s18] =	ssyncadd.s32 $0xFFFFC000  }
.LBB2_3:
0x41: {  	[spmem:s2] =	stream.indirect.scatter.add.f32 [tilespmem:s16], [sflag:$0x2], $0x80, s15, s15, $0xb8;
	[tilespmem:$0x18100] =	vst v63  }
0x42: {  	_ =	swait.ge [sflag:s17], $0x4000  }
0x43: {  	s19 =	sadd.s32 $0x1, s19;
	[sflag:s17] =	ssyncset.done $0x0  }
0x44: {  	p0 =	sne.s32 s19, s10;
	[sflag:s17] =	ssyncadd.s32 $0xFFFFC000  }
.Ltmp2:
0x45: {  	[bflag:$0x0] =	sbarrier.arrive $0xFFFF;
	(pc) =	sbr.rel @p0 .LBB2_1-.Ltmp2, $4  }
0x46: {  	[hbm:s9], [sflag:s7] =	dma.local [spmem:s13], $0x2800  }
0x47: {  	_ =	swait.ge [sflag:s14], $0x2800  }
0x48: {  	[sflag:s14] =	ssyncset.done $0x0  }
0x49: {  	[sflag:s14] =	ssyncadd.s32 $0xFFFFD800  }
0x4a: {  	_ =	sfence.sel $0x180000  }
0x4b: {  	[bflag:$0x0] =	sbarrier.arrive $0xFFFF  }
0x4c: {  	p0 =	sne.s32 s1, $0x0;
	_ =	strace $0x9000004A  }
0x4d: {  	s0 =	sadd.s32 @!p0 $0x100000, s0;
	[bflag:$0x2] =	sbarrier.arrive $0xFFFF  }
0x4e: {  	[sflag:s0] =	ssyncadd.tile.s32 @!p0 $0x1;
	_ =	shalt  }
.Lfunc_end2:
_tile_overlayer_lowered:
.L_overlay_start_2:
0x4f: {  	(tag) =	ssettag $0x2  }
0x50: {  	s0 =	rddreg [dreg:$0x0];
	s2 =	stileid.u32  }
0x51: {  	s1 =	rddreg [dreg:$0x1];
	p0 =	sne.s32 s2, $0x0  }
0x52: {  	s3 =	rddreg [dreg:$0x2];
	[bflag:$0x3] =	sbarrier.arrive $0xFFFF;
	s2 =	simm.s32 @!p0 $0x1C03  }
0x53: {  	[timem:s3], [sflag:s2] =	dma.local @!p0 [hbm:s0], s1  }
0x54: {  	s0 =	simm.s32 @!p0 $0x3  }
0x55: {  	_ =	swait.ge @!p0 [sflag:s0], s1  }
0x56: {  	s1 =	ssub.s32 @!p0 $0x0, s1;
	[sflag:s0] =	ssyncset.done @!p0 $0x0  }
0x57: {  	[sflag:s0] =	ssyncadd.s32 @!p0 s1  }
0x58: {  	[bflag:$0x3] =	sbarrier.arrive $0xFFFF  }
0x59: {  	_ =	shalt  }

// kernel: kernel.14.cloned.1.call-start
scs
__scs_entry_jumppad:
0x0: {  	(pc) =	sbr.rel $0x88, $3  }
0x1: {  	(tag) =	ssettag $0x0;
	lr =	simm.s32 $0x1  }
0x2: {  	[smem:$0x3F8E] =	sst lr;
	_ =	strace $0xD0000000  }
0x3: {  	_ = 	snop  }
0x4: {  	_ = 	snop  }
0x5: {  	_ = 	snop  }
0x6: {  	_ = 	snop  }
0x7: {  	_ = 	snop  }
__scs_overlays_trampoline_lowered:
0x8: {  	[smem:$0x3F9D] =	sst s0  }
0x9: {  	[smem:$0x3F9E] =	sst s1  }
0xa: {  	[smem:$0x3F9F] =	sst s2  }
0xb: {  	[smem:$0x3FA0] =	sst s3  }
0xc: {  	[smem:$0x3FA1] =	sst s4  }
0xd: {  	[smem:$0x3FA2] =	sst s5  }
0xe: {  	[smem:$0x3FA3] =	sst s6  }
0xf: {  	[smem:$0x3FA4] =	sst s7  }
0x10: {  	[smem:$0x3FA5] =	sst s8  }
0x11: {  	[smem:$0x3FA6] =	sst s9;
	s0 =	simm.s32 @!p0 $0x0  }
0x12: {  	s1 =	sld [smem:$0x3F8C];
	s0 =	simm.s32 @p0 $0x1  }
0x13: {  	[smem:$0x3FA7] =	sst s0;
	s0 =	simm.s32 @!p1 $0x0  }
0x14: {  	s2 =	sld [smem:$0x3F8B];
	s0 =	simm.s32 @p1 $0x1  }
0x15: {  	[smem:$0x3FA8] =	sst s0;
	s0 =	simm.s32 @!p2 $0x0  }
0x16: {  	s3 =	sld [smem:$0x3FDB];
	s0 =	simm.s32 @p2 $0x1  }
0x17: {  	s4 =	simm.s32 $0x1BF5;
	[smem:$0x3FAA] =	sst s0  }
0x18: {  	s0 =	sld [smem:$0x3F8D];
	_ =	swait.ge [sflag:s4], $0x0  }
0x19: {  	s7 =	sld [smem:$0x3F8E]  }
0x1a: {  	s8 =	sadd.s32 $0xFFFFE003, lr  }
0x1b: {  	s9 =	sadd.s32 $0xFFFFFEF7, lr;
	s5 =	simm.s32 $0xFFFFFFFF;
	p2 =	slt.u32 s8, $0xFFFFF086  }
0x1c: {  	p1 =	slt.u32 s9, $0xF7A;
	s5 =	simm.s32 @!p2 $0x0  }
0x1d: {  	s5 =	simm.s32 @p1 $0x1;
	p0 =	seq.s32 s7, s2  }
0x1e: {  	s7 =	smul.u32 @!p0 $0xF7A, s2;
	p2 =	seq.s32 @!p0 s5, $0x0  }
0x1f: {  	s9 =	smul.u32 $0xF7A, s1;
	s8 =	simm.s32 @!p0 $0x1BF5;
	p2 =	por !p2, p0  }
0x20: {  	[sflag:s8] =	ssyncset.s32 @!p0 $0xFFFFF086;
	s6 =	sadd.s32 @!p0 s3, s7;
	s7 =	simm.s32 @!p0 $0x108  }
0x21: {  	s3 =	sadd.s32 s3, s9;
	s6 =	sadd.s32 @!p0 $0x88, s6;
	s7 =	simm.s32 @p2 $0x1082  }
0x22: {  	[simem:s7], [sflag:s8] =	dma.local @!p0 [hbm:s6], $0xF7A  }
0x23: {  	s9 =	sor.u32 $0xD0000000, s2;
	s6 =	simm.s32 $0x108;
	_ =	swait.ge @!p0 [sflag:s8], $0x0  }
0x24: {  	s3 =	sadd.s32 $0x88, s3;
	s6 =	simm.s32 @!p1 $0x1082;
	[sflag:s4] =	ssyncset.s32 $0xFFFFF086  }
0x25: {  	[simem:s6], [sflag:s4] =	dma.local [hbm:s3], $0xF7A  }
0x26: {  	[smem:$0x3F8E] =	sst s1;
	(tag) =	ssettag s2;
	_ =	strace s9  }
0x27: {  	s1 =	sld [smem:$0x3F9E]  }
0x28: {  	s2 =	sld [smem:$0x3F9F]  }
0x29: {  	s4 =	sld [smem:$0x3FA1]  }
0x2a: {  	p0 =	seq.s32 s5, $0x0;
	s5 =	sld [smem:$0x3FA2]  }
0x2b: {  	s6 =	sld [smem:$0x3FA3]  }
0x2c: {  	s7 =	sld [smem:$0x3FA4]  }
0x2d: {  	s3 =	simm.s32 $0x108;
	s8 =	sld [smem:$0x3FA5]  }
0x2e: {  	s3 =	simm.s32 @!p0 $0x1082;
	s9 =	sld [smem:$0x3FA6]  }
0x2f: {  	lr =	sadd.s32 s0, s3;
	s0 =	sld [smem:$0x3F9D]  }
0x30: {  	s3 =	sld [smem:$0x3FA0]  }
0x31: {  	[smem:$0x3FA9] =	sst s10  }
0x32: {  	s10 =	sld [smem:$0x3FA7];
	_ =	sdelay $0x3  }
0x33: {  	p0 =	seq.s32 s10, $0x1;
	s10 =	sld [smem:$0x3FA9];
	_ =	sdelay $0x3  }
0x34: {  	[smem:$0x3FA9] =	sst s10  }
0x35: {  	s10 =	sld [smem:$0x3FA8];
	_ =	sdelay $0x3  }
0x36: {  	p1 =	seq.s32 s10, $0x1;
	s10 =	sld [smem:$0x3FA9];
	_ =	sdelay $0x3  }
0x37: {  	[smem:$0x3FA9] =	sst s10  }
0x38: {  	s10 =	sld [smem:$0x3FAA]  }
0x39: {  	_ = 	snop;
	(pc) =	sbr.ind lr, $3  }
0x3a: {  	_ = 	snop  }
0x3b: {  	_ = 	snop  }
0x3c: {  	p2 =	seq.s32 s10, $0x1;
	s10 =	sld [smem:$0x3FA9]  }
0x3d: {  	_ =	shalt  }
0x3e: {  	_ =	shalt  }
0x3f: {  	_ =	shalt  }
0x40: {  	_ =	shalt  }
0x41: {  	_ =	shalt  }
0x42: {  	_ =	shalt  }
0x43: {  	_ =	shalt  }
0x44: {  	_ =	shalt  }
0x45: {  	_ =	shalt  }
0x46: {  	_ =	shalt  }
0x47: {  	_ =	shalt  }
0x48: {  	_ =	shalt  }
0x49: {  	_ =	shalt  }
0x4a: {  	_ =	shalt  }
0x4b: {  	_ =	shalt  }
0x4c: {  	_ =	shalt  }
0x4d: {  	_ =	shalt  }
0x4e: {  	_ =	shalt  }
0x4f: {  	_ =	shalt  }
0x50: {  	_ =	shalt  }
0x51: {  	_ =	shalt  }
0x52: {  	_ =	shalt  }
0x53: {  	_ =	shalt  }
0x54: {  	_ =	shalt  }
0x55: {  	_ =	shalt  }
0x56: {  	_ =	shalt  }
0x57: {  	_ =	shalt  }
0x58: {  	_ =	shalt  }
0x59: {  	_ =	shalt  }
0x5a: {  	_ =	shalt  }
0x5b: {  	_ =	shalt  }
0x5c: {  	_ =	shalt  }
0x5d: {  	_ =	shalt  }
0x5e: {  	_ =	shalt  }
0x5f: {  	_ =	shalt  }
0x60: {  	_ =	shalt  }
0x61: {  	_ =	shalt  }
0x62: {  	_ =	shalt  }
0x63: {  	_ =	shalt  }
0x64: {  	_ =	shalt  }
0x65: {  	_ =	shalt  }
0x66: {  	_ =	shalt  }
0x67: {  	_ =	shalt  }
0x68: {  	_ =	shalt  }
0x69: {  	_ =	shalt  }
0x6a: {  	_ =	shalt  }
0x6b: {  	_ =	shalt  }
0x6c: {  	_ =	shalt  }
0x6d: {  	_ =	shalt  }
0x6e: {  	_ =	shalt  }
0x6f: {  	_ =	shalt  }
0x70: {  	_ =	shalt  }
0x71: {  	_ =	shalt  }
0x72: {  	_ =	shalt  }
0x73: {  	_ =	shalt  }
0x74: {  	_ =	shalt  }
0x75: {  	_ =	shalt  }
0x76: {  	_ =	shalt  }
0x77: {  	_ =	shalt  }
0x78: {  	_ =	shalt  }
0x79: {  	_ =	shalt  }
0x7a: {  	_ =	shalt  }
0x7b: {  	_ =	shalt  }
0x7c: {  	_ =	shalt  }
0x7d: {  	_ =	shalt  }
0x7e: {  	_ =	shalt  }
0x7f: {  	_ =	shalt  }
0x80: {  	_ =	shalt  }
0x81: {  	_ =	shalt  }
0x82: {  	_ =	shalt  }
0x83: {  	_ =	shalt  }
0x84: {  	_ =	shalt  }
0x85: {  	_ =	shalt  }
0x86: {  	_ =	shalt  }
0x87: {  	_ =	shalt  }
.Lfunc_end0:
.L_simem_size_0:
called_computation.2_lowered:
.L_overlay_start_0:
0x88: {  	s2 =	sld [smem:$0x3FD9]  }
0x89: {  	s3 =	sld [smem:$0x3FFE];
	_ =	sdelay $0x1  }
0x8a: {  	s1 =	srdreg.scid  }
0x8b: {  	s0 =	sand.u32 $0x1, s1  }
0x8c: {  	s17 =	sshll.u32 s0, $0xA;
	s2 =	sadd.s32 s3, s2  }
0x8d: {  	s2 =	sadd.s32 s2, s17  }
0x8e: {  	[smem:$0x3FB5] =	sst s2  }
0x8f: {  	_ = 	snop  }
0x90: {  	s2 =	sld [smem:$0x3FD0];
	(tm) =	ssettm $0x1  }
0x91: {  	s18 =	sld [smem:$0x3FFB];
	_ =	sdelay $0x3  }
0x92: {  	_ =	strace s18  }
0x93: {  	s3 =	sld [smem:$0x3FFC];
	_ =	sdelay $0x3  }
0x94: {  	_ =	strace s3  }
0x95: {  	s3 =	sld [smem:$0x3FFD];
	_ =	sdelay $0x3  }
0x96: {  	_ =	strace s3  }
0x97: {  	_ =	strace $0x8FFFFFFF  }
0x98: {  	s19 =	sld [smem:$0x3FDB];
	_ =	sdelay $0x1  }
0x99: {  	s4 =	simm.s32 $_scs_section_size  }
0x9a: {  	s5 =	simm.s32 $_size__tile_overlayer_lowered;
	s6 =	simm.s32 $_tile_overlayer_lowered  }
0x9b: {  	s22 =	simm.s32 $0x1BFF;
	s21 =	sshll.u32 s6, $0x1;
	s3 =	sadd.s32 s4, s19  }
0x9c: {  	s7 =	simm.s32 $0x0;
	s20 =	sshll.u32 s5, $0x1;
	s5 =	sadd.s32 s21, s3  }
0x9d: {  	[timem:s7], [sflag:s22] =	dma.local [hbm:s5], s20  }
0x9e: {  	_ =	swait.ge [sflag:s22], s20  }
0x9f: {  	s4 =	ssub.s32 $0x0, s20;
	[sflag:s22] =	ssyncset.done $0x0  }
0xa0: {  	[sflag:s22] =	ssyncadd.s32 s4;
	_ =	sdelay $0x1  }
0xa1: {  	s23 =	simm.s32 $0x1B8B  }
0xa2: {  	_ =	swait.ge [sflag:s23], $0x1  }
0xa3: {  	[sflag:s23] =	ssyncset.done $0x0  }
0xa4: {  	s25 =	simm.s32 $0x1B8E;
	s24 =	sld [smem:$0x3FFE];
	[sflag:s23] =	ssyncadd.s32 $0xFFFFFFFF  }
0xa5: {  	s26 =	simm.s32 $execute0_lowered;
	[smem:$0x3FD2] =	sst s25  }
0xa6: {  	s5 =	sshll.u32 s26, $0x1;
	_ =	strace $0x8000004C;
	[dreg:$0x1] =	wrdreg $0xFFFFFFFF  }
0xa7: {  	s28 =	simm.s32 $_size_execute0_lowered;
	s3 =	sadd.s32 s3, s5;
	[dreg:$0x0] =	wrdreg $0x0  }
0xa8: {  	s5 =	sshll.u32 s28, $0x1;
	[dreg:$0x2] =	wrdreg s3  }
0xa9: {  	[dreg:$0x3] =	wrdreg s5  }
0xaa: {  	[dreg:$0x4] =	wrdreg $0xC0  }
0xab: {  	_ =	task [dreg:s7], $0x5FFFF  }
0xac: {  	[dreg:$0x1] =	wrdreg $0xFFFFFFFF  }
0xad: {  	[dreg:$0x0] =	wrdreg $0x60  }
0xae: {  	[dreg:$0x2] =	wrdreg s24  }
0xaf: {  	[dreg:$0x3] =	wrdreg s2  }
0xb0: {  	[dreg:$0x4] =	wrdreg $0x41000  }
0xb1: {  	[dreg:$0x5] =	wrdreg $0x9  }
0xb2: {  	_ =	task.clear_ibuf [dreg:s7], $0x6FFFF;
	_ =	strace $0x9000004C  }
0xb3: {  	s29 =	simm.s32 $0x9;
	_ =	strace $0x8000004E  }
0xb4: {  	_ =	swait.ge [sflag:s29], $0x1  }
0xb5: {  	[sflag:s29] =	ssyncadd.s32 $0xFFFFFFFF  }
0xb6: {  	_ =	strace $0x9000004E  }
0xb7: {  	_ =	sfence  }
0xb8: {  	s30 =	sld [smem:$0x0];
	_ =	sdelay $0x2  }
0xb9: {  	s31 =	sshll.u32 s1, $0xD;
	s1 =	sshrl.u32 s1, $0x2  }
0xba: {  	s3 =	sand.u32 $0x4000, s31;
	s1 =	sadd.s32 s1, s30  }
0xbb: {  	s0 =	sor.u32 s3, s0;
	s1 =	sshll.u32 s1, $0x11  }
0xbc: {  	s0 =	sor.u32 s1, s0  }
0xbd: {  	s0 =	sadd.s32 $0x8F2B, s0  }
0xbe: {  	[sflag:s0] =	ssyncadd.remote.s32 $0x1  }
0xbf: {  	_ =	sfence.sel $0xFFFF  }
0xc0: {  	[dreg:$0x0] =	wrdreg $0xFFFFFFFF;
	(pc) =	sbr.abs _section_cstart, $3  }
0xc1: {  	[dreg:$0x1] =	wrdreg $0xFFFFFFFF  }
0xc2: {  	_ =	task.clear_ibuf [dreg:s7], $0x2FFFF;
	_ =	strace $0x9FFFFFFF  }
0xc3: {  	(tm) =	ssettm $0x7FFFFFFF  }
tec
execute0_lowered:
.L_overlay_start_1:
0x0: {  	(tag) =	ssettag $0x1  }
0x1: {  	s8 =	rddreg [dreg:$0x0]  }
0x2: {  	s12 =	rddreg [dreg:$0x1]  }
0x3: {  	s2 =	rddreg [dreg:$0x2]  }
0x4: {  	s0 =	rddreg [dreg:$0x3]  }
0x5: {  	s1 =	stileid.u32;
	s4 =	srdreg.scid  }
0x6: {  	s3 =	simm.s32 $0x0;
	s17 =	simm.s32 $0x2;
	s5 =	smul.u32 $0x3F, s1  }
0x7: {  	s18 =	simm.s32 $0x1;
	s6 =	sand.u32 $0x1, s4;
	s4 =	smul.u32 $0x5E, s1  }
0x8: {  	s19 =	simm.s32 $0x0;
	[smem:$0x7FF] =	sst s3;
	s7 =	smul.u32 $0x14000, s1  }
0x9: {  	s10 =	smul.u32 $0x50000, s1;
	s31 =	sshll.u32 s1, $0x6;
	p0 =	seq.s32 s6, $0x0  }
0xa: {  	_ =	strace $0x8000004D;
	s28 =	smul.u32 $0x140000, s6;
	s6 =	ssub.s32 $0x2, s6  }
0xb: {  	s5 =	sadd.s32 $0x5E0, s5;
	s9 =	sshrl.u32 s7, $0x3;
	s29 =	sshrl.u32 s6, $0x1  }
0xc: {  	s30 =	sshrl.u32 s10, $0x2;
	s5 =	smov.u32 @p0 s4;
	s4 =	sadd.s32 $0xD400, s8  }
0xd: {  	s9 =	sadd.s32 s9, s8;
	s15 =	ssub.s32 s6, s29;
	s16 =	sadd.s32 s30, s2  }
0xe: {  	s13 =	sshll.u32 s5, $0x4;
	s5 =	sadd.s32 s7, s28;
	s6 =	sadd.s32 $0x35400, s9  }
0xf: {  	s7 =	sor.u32 $0x1C03, s31;
	s10 =	smax.u32 s15, $0x1;
	s15 =	simm.s32 $0x80  }
0x10: {  	s11 =	sadd.s32 s13, s8;
	s5 =	sshrl.u32 s5, $0x3;
	s12 =	sadd.s32 s13, s12  }
0x11: {  	s13 =	sshrl.u32 s16, $0x3;
	s16 =	simm.s32 $0x100;
	s14 =	sadd.s32 s5, s8  }
0x12: {  	s5 =	simm.s32 $0x5E;
	s8 =	sadd.s32 $0xD300, s8;
	s11 =	sadd.s32 $0x3600, s11  }
0x13: {  	s5 =	simm.s32 @!p0 $0x3F;
	s9 =	sadd.s32 $0x5D400, s14;
	s14 =	simm.s32 $0x3  }
.LBB2_1:
0x14: {  	[spmem:s13], [sflag:s7] =	dma.local [hbm:s6], $0x2800  }
0x15: {  	_ =	swait.ge [sflag:s14], $0x2800  }
0x16: {  	[sflag:s14] =	ssyncset.done $0x0  }
0x17: {  	[sflag:s14] =	ssyncadd.s32 $0xFFFFD800  }
0x18: {  	[bflag:$0x0] =	sbarrier.arrive $0xFFFF  }
0x19: {  	[tilespmem:s15], [sflag:$0x3] =	stream.linear.gather [hbm4b:s8+s3], $0x80, $0x38;
	[tilespmem:$0x18100] =	vst v63  }
0x1a: {  	_ =	swait.ge [sflag:s14], $0x80  }
0x1b: {  	[sflag:s14] =	ssyncset.done $0x0  }
0x1c: {  	[sflag:s14] =	ssyncadd.s32 $0xFFFFFF80  }
0x1d: {  	[spmem:s2] =	stream.indirect.scatter.add.f32 [tilespmem:s16], [sflag:$0x2], $0x80, s15, s15, $0xb8;
	[tilespmem:$0x18100] =	vst v63  }
0x1e: {  	_ = 	snop  }
0x1f: {  	[tilespmem:s3], [sflag:$0x3] =	stream.linear.gather [hbm4b:s12+s3], $0x80, $0x38;
	[tilespmem:$0x18100] =	vst v63  }
0x20: {  	_ =	swait.ge [sflag:s14], $0x80  }
0x21: {  	[sflag:s14] =	ssyncset.done $0x0  }
0x22: {  	[sflag:s14] =	ssyncadd.s32 $0xFFFFFF80  }
0x23: {  	_ =	swait.ge [sflag:s17], $0x4000  }
0x24: {  	[sflag:s17] =	ssyncset.done $0x0  }
0x25: {  	[sflag:s17] =	ssyncadd.s32 $0xFFFFC000  }
0x26: {  	[tilespmem:s16], [sflag:$0x1] =	stream.indirect.gather [hbm4b:s4+s15], $0x80, s3, s15, $0xb8;
	[tilespmem:$0x18100] =	vst v63  }
0x27: {  	_ = 	snop  }
0x28: {  	[tilespmem:s15], [sflag:$0x3] =	stream.linear.gather [hbm4b:s11+s3], $0x80, $0x38;
	[tilespmem:$0x18100] =	vst v63  }
0x29: {  	p0 =	sne.s32 s5, $0x1;
	_ =	swait.ge [sflag:s14], $0x80  }
.Ltmp0:
0x2a: {  	[sflag:s14] =	ssyncset.done $0x0;
	(pc) =	sbr.rel @!p0 .LBB2_3-.Ltmp0, $4  }
0x2b: {  	[sflag:s14] =	ssyncadd.s32 $0xFFFFFF80  }
0x2c: {  	_ =	swait.ge [sflag:s18], $0x4000  }
0x2d: {  	s20 =	sadd.s32 $0xFFFFFFFF, s5;
	[sflag:s18] =	ssyncset.done $0x0  }
0x2e: {  	s21 =	sadd.s32 $0x10, s11;
	s22 =	sadd.s32 $0x10, s12;
	[sflag:s18] =	ssyncadd.s32 $0xFFFFC000  }
.LBB2_2:
0x2f: {  	[spmem:s2] =	stream.indirect.scatter.add.f32 [tilespmem:s16], [sflag:$0x2], $0x80, s15, s15, $0xb8;
	[tilespmem:$0x18100] =	vst v63  }
0x30: {  	p0 =	sne.s32 s20, $0x1;
	s20 =	sadd.s32 $0xFFFFFFFF, s20  }
0x31: {  	[tilespmem:s3], [sflag:$0x3] =	stream.linear.gather [hbm4b:s22+s3], $0x80, $0x38;
	[tilespmem:$0x18100] =	vst v63  }
0x32: {  	_ =	swait.ge [sflag:s14], $0x80  }
0x33: {  	[sflag:s14] =	ssyncset.done $0x0  }
0x34: {  	[sflag:s14] =	ssyncadd.s32 $0xFFFFFF80  }
0x35: {  	_ =	swait.ge [sflag:s17], $0x4000  }
0x36: {  	[sflag:s17] =	ssyncset.done $0x0  }
0x37: {  	[sflag:s17] =	ssyncadd.s32 $0xFFFFC000  }
0x38: {  	[tilespmem:s16], [sflag:$0x1] =	stream.indirect.gather [hbm4b:s4+s15], $0x80, s3, s15, $0xb8;
	[tilespmem:$0x18100] =	vst v63  }
0x39: {  	_ = 	snop  }
0x3a: {  	[tilespmem:s15], [sflag:$0x3] =	stream.linear.gather [hbm4b:s21+s3], $0x80, $0x38;
	[tilespmem:$0x18100] =	vst v63  }
0x3b: {  	_ =	swait.ge [sflag:s14], $0x80  }
.Ltmp1:
0x3c: {  	[sflag:s14] =	ssyncset.done $0x0;
	(pc) =	sbr.rel @p0 .LBB2_2-.Ltmp1, $4  }
0x3d: {  	[sflag:s14] =	ssyncadd.s32 $0xFFFFFF80  }
0x3e: {  	_ =	swait.ge [sflag:s18], $0x4000  }
0x3f: {  	[sflag:s18] =	ssyncset.done $0x0  }
0x40: {  	s22 =	sadd.s32 $0x10, s22;
	s21 =	sadd.s32 $0x10, s21;
	[sflag:s18] =	ssyncadd.s32 $0xFFFFC000  }
.LBB2_3:
0x41: {  	[spmem:s2] =	stream.indirect.scatter.add.f32 [tilespmem:s16], [sflag:$0x2], $0x80, s15, s15, $0xb8;
	[tilespmem:$0x18100] =	vst v63  }
0x42: {  	_ =	swait.ge [sflag:s17], $0x4000  }
0x43: {  	s19 =	sadd.s32 $0x1, s19;
	[sflag:s17] =	ssyncset.done $0x0  }
0x44: {  	p0 =	sne.s32 s19, s10;
	[sflag:s17] =	ssyncadd.s32 $0xFFFFC000  }
.Ltmp2:
0x45: {  	[bflag:$0x0] =	sbarrier.arrive $0xFFFF;
	(pc) =	sbr.rel @p0 .LBB2_1-.Ltmp2, $4  }
0x46: {  	[hbm:s9], [sflag:s7] =	dma.local [spmem:s13], $0x2800  }
0x47: {  	_ =	swait.ge [sflag:s14], $0x2800  }
0x48: {  	[sflag:s14] =	ssyncset.done $0x0  }
0x49: {  	[sflag:s14] =	ssyncadd.s32 $0xFFFFD800  }
0x4a: {  	_ =	sfence.sel $0x180000  }
0x4b: {  	[bflag:$0x0] =	sbarrier.arrive $0xFFFF  }
0x4c: {  	p0 =	sne.s32 s1, $0x0;
	_ =	strace $0x9000004D  }
0x4d: {  	s0 =	sadd.s32 @!p0 $0x100000, s0;
	[bflag:$0x2] =	sbarrier.arrive $0xFFFF  }
0x4e: {  	[sflag:s0] =	ssyncadd.tile.s32 @!p0 $0x1;
	_ =	shalt  }
.Lfunc_end2:
_tile_overlayer_lowered:
.L_overlay_start_2:
0x4f: {  	(tag) =	ssettag $0x2  }
0x50: {  	s0 =	rddreg [dreg:$0x0];
	s2 =	stileid.u32  }
0x51: {  	s1 =	rddreg [dreg:$0x1];
	p0 =	sne.s32 s2, $0x0  }
0x52: {  	s3 =	rddreg [dreg:$0x2];
	[bflag:$0x3] =	sbarrier.arrive $0xFFFF;
	s2 =	simm.s32 @!p0 $0x1C03  }
0x53: {  	[timem:s3], [sflag:s2] =	dma.local @!p0 [hbm:s0], s1  }
0x54: {  	s0 =	simm.s32 @!p0 $0x3  }
0x55: {  	_ =	swait.ge @!p0 [sflag:s0], s1  }
0x56: {  	s1 =	ssub.s32 @!p0 $0x0, s1;
	[sflag:s0] =	ssyncset.done @!p0 $0x0  }
0x57: {  	[sflag:s0] =	ssyncadd.s32 @!p0 s1  }
0x58: {  	[bflag:$0x3] =	sbarrier.arrive $0xFFFF  }
0x59: {  	_ =	shalt  }

// kernel: kernel.8.cloned.1.call-start
scs
__scs_entry_jumppad:
0x0: {  	(pc) =	sbr.rel $0x88, $3  }
0x1: {  	(tag) =	ssettag $0x0;
	lr =	simm.s32 $0x1  }
0x2: {  	[smem:$0x3F8E] =	sst lr;
	_ =	strace $0xD0000000  }
0x3: {  	_ = 	snop  }
0x4: {  	_ = 	snop  }
0x5: {  	_ = 	snop  }
0x6: {  	_ = 	snop  }
0x7: {  	_ = 	snop  }
__scs_overlays_trampoline_lowered:
0x8: {  	[smem:$0x3F9D] =	sst s0  }
0x9: {  	[smem:$0x3F9E] =	sst s1  }
0xa: {  	[smem:$0x3F9F] =	sst s2  }
0xb: {  	[smem:$0x3FA0] =	sst s3  }
0xc: {  	[smem:$0x3FA1] =	sst s4  }
0xd: {  	[smem:$0x3FA2] =	sst s5  }
0xe: {  	[smem:$0x3FA3] =	sst s6  }
0xf: {  	[smem:$0x3FA4] =	sst s7  }
0x10: {  	[smem:$0x3FA5] =	sst s8  }
0x11: {  	[smem:$0x3FA6] =	sst s9;
	s0 =	simm.s32 @!p0 $0x0  }
0x12: {  	s1 =	sld [smem:$0x3F8C];
	s0 =	simm.s32 @p0 $0x1  }
0x13: {  	[smem:$0x3FA7] =	sst s0;
	s0 =	simm.s32 @!p1 $0x0  }
0x14: {  	s2 =	sld [smem:$0x3F8B];
	s0 =	simm.s32 @p1 $0x1  }
0x15: {  	[smem:$0x3FA8] =	sst s0;
	s0 =	simm.s32 @!p2 $0x0  }
0x16: {  	s3 =	sld [smem:$0x3FDB];
	s0 =	simm.s32 @p2 $0x1  }
0x17: {  	s4 =	simm.s32 $0x1BF5;
	[smem:$0x3FAA] =	sst s0  }
0x18: {  	s0 =	sld [smem:$0x3F8D];
	_ =	swait.ge [sflag:s4], $0x0  }
0x19: {  	s7 =	sld [smem:$0x3F8E]  }
0x1a: {  	s8 =	sadd.s32 $0xFFFFE003, lr  }
0x1b: {  	s9 =	sadd.s32 $0xFFFFFEF7, lr;
	s5 =	simm.s32 $0xFFFFFFFF;
	p2 =	slt.u32 s8, $0xFFFFF086  }
0x1c: {  	p1 =	slt.u32 s9, $0xF7A;
	s5 =	simm.s32 @!p2 $0x0  }
0x1d: {  	s5 =	simm.s32 @p1 $0x1;
	p0 =	seq.s32 s7, s2  }
0x1e: {  	s7 =	smul.u32 @!p0 $0xF7A, s2;
	p2 =	seq.s32 @!p0 s5, $0x0  }
0x1f: {  	s9 =	smul.u32 $0xF7A, s1;
	s8 =	simm.s32 @!p0 $0x1BF5;
	p2 =	por !p2, p0  }
0x20: {  	[sflag:s8] =	ssyncset.s32 @!p0 $0xFFFFF086;
	s6 =	sadd.s32 @!p0 s3, s7;
	s7 =	simm.s32 @!p0 $0x108  }
0x21: {  	s3 =	sadd.s32 s3, s9;
	s6 =	sadd.s32 @!p0 $0x88, s6;
	s7 =	simm.s32 @p2 $0x1082  }
0x22: {  	[simem:s7], [sflag:s8] =	dma.local @!p0 [hbm:s6], $0xF7A  }
0x23: {  	s9 =	sor.u32 $0xD0000000, s2;
	s6 =	simm.s32 $0x108;
	_ =	swait.ge @!p0 [sflag:s8], $0x0  }
0x24: {  	s3 =	sadd.s32 $0x88, s3;
	s6 =	simm.s32 @!p1 $0x1082;
	[sflag:s4] =	ssyncset.s32 $0xFFFFF086  }
0x25: {  	[simem:s6], [sflag:s4] =	dma.local [hbm:s3], $0xF7A  }
0x26: {  	[smem:$0x3F8E] =	sst s1;
	(tag) =	ssettag s2;
	_ =	strace s9  }
0x27: {  	s1 =	sld [smem:$0x3F9E]  }
0x28: {  	s2 =	sld [smem:$0x3F9F]  }
0x29: {  	s4 =	sld [smem:$0x3FA1]  }
0x2a: {  	p0 =	seq.s32 s5, $0x0;
	s5 =	sld [smem:$0x3FA2]  }
0x2b: {  	s6 =	sld [smem:$0x3FA3]  }
0x2c: {  	s7 =	sld [smem:$0x3FA4]  }
0x2d: {  	s3 =	simm.s32 $0x108;
	s8 =	sld [smem:$0x3FA5]  }
0x2e: {  	s3 =	simm.s32 @!p0 $0x1082;
	s9 =	sld [smem:$0x3FA6]  }
0x2f: {  	lr =	sadd.s32 s0, s3;
	s0 =	sld [smem:$0x3F9D]  }
0x30: {  	s3 =	sld [smem:$0x3FA0]  }
0x31: {  	[smem:$0x3FA9] =	sst s10  }
0x32: {  	s10 =	sld [smem:$0x3FA7];
	_ =	sdelay $0x3  }
0x33: {  	p0 =	seq.s32 s10, $0x1;
	s10 =	sld [smem:$0x3FA9];
	_ =	sdelay $0x3  }
0x34: {  	[smem:$0x3FA9] =	sst s10  }
0x35: {  	s10 =	sld [smem:$0x3FA8];
	_ =	sdelay $0x3  }
0x36: {  	p1 =	seq.s32 s10, $0x1;
	s10 =	sld [smem:$0x3FA9];
	_ =	sdelay $0x3  }
0x37: {  	[smem:$0x3FA9] =	sst s10  }
0x38: {  	s10 =	sld [smem:$0x3FAA]  }
0x39: {  	_ = 	snop;
	(pc) =	sbr.ind lr, $3  }
0x3a: {  	_ = 	snop  }
0x3b: {  	_ = 	snop  }
0x3c: {  	p2 =	seq.s32 s10, $0x1;
	s10 =	sld [smem:$0x3FA9]  }
0x3d: {  	_ =	shalt  }
0x3e: {  	_ =	shalt  }
0x3f: {  	_ =	shalt  }
0x40: {  	_ =	shalt  }
0x41: {  	_ =	shalt  }
0x42: {  	_ =	shalt  }
0x43: {  	_ =	shalt  }
0x44: {  	_ =	shalt  }
0x45: {  	_ =	shalt  }
0x46: {  	_ =	shalt  }
0x47: {  	_ =	shalt  }
0x48: {  	_ =	shalt  }
0x49: {  	_ =	shalt  }
0x4a: {  	_ =	shalt  }
0x4b: {  	_ =	shalt  }
0x4c: {  	_ =	shalt  }
0x4d: {  	_ =	shalt  }
0x4e: {  	_ =	shalt  }
0x4f: {  	_ =	shalt  }
0x50: {  	_ =	shalt  }
0x51: {  	_ =	shalt  }
0x52: {  	_ =	shalt  }
0x53: {  	_ =	shalt  }
0x54: {  	_ =	shalt  }
0x55: {  	_ =	shalt  }
0x56: {  	_ =	shalt  }
0x57: {  	_ =	shalt  }
0x58: {  	_ =	shalt  }
0x59: {  	_ =	shalt  }
0x5a: {  	_ =	shalt  }
0x5b: {  	_ =	shalt  }
0x5c: {  	_ =	shalt  }
0x5d: {  	_ =	shalt  }
0x5e: {  	_ =	shalt  }
0x5f: {  	_ =	shalt  }
0x60: {  	_ =	shalt  }
0x61: {  	_ =	shalt  }
0x62: {  	_ =	shalt  }
0x63: {  	_ =	shalt  }
0x64: {  	_ =	shalt  }
0x65: {  	_ =	shalt  }
0x66: {  	_ =	shalt  }
0x67: {  	_ =	shalt  }
0x68: {  	_ =	shalt  }
0x69: {  	_ =	shalt  }
0x6a: {  	_ =	shalt  }
0x6b: {  	_ =	shalt  }
0x6c: {  	_ =	shalt  }
0x6d: {  	_ =	shalt  }
0x6e: {  	_ =	shalt  }
0x6f: {  	_ =	shalt  }
0x70: {  	_ =	shalt  }
0x71: {  	_ =	shalt  }
0x72: {  	_ =	shalt  }
0x73: {  	_ =	shalt  }
0x74: {  	_ =	shalt  }
0x75: {  	_ =	shalt  }
0x76: {  	_ =	shalt  }
0x77: {  	_ =	shalt  }
0x78: {  	_ =	shalt  }
0x79: {  	_ =	shalt  }
0x7a: {  	_ =	shalt  }
0x7b: {  	_ =	shalt  }
0x7c: {  	_ =	shalt  }
0x7d: {  	_ =	shalt  }
0x7e: {  	_ =	shalt  }
0x7f: {  	_ =	shalt  }
0x80: {  	_ =	shalt  }
0x81: {  	_ =	shalt  }
0x82: {  	_ =	shalt  }
0x83: {  	_ =	shalt  }
0x84: {  	_ =	shalt  }
0x85: {  	_ =	shalt  }
0x86: {  	_ =	shalt  }
0x87: {  	_ =	shalt  }
.Lfunc_end0:
.L_simem_size_0:
called_computation_lowered:
.L_overlay_start_0:
0x88: {  	s2 =	sld [smem:$0x3FD9]  }
0x89: {  	s3 =	sld [smem:$0x3FFE];
	_ =	sdelay $0x1  }
0x8a: {  	s1 =	srdreg.scid  }
0x8b: {  	s0 =	sand.u32 $0x1, s1  }
0x8c: {  	s17 =	sshll.u32 s0, $0xA;
	s2 =	sadd.s32 s3, s2  }
0x8d: {  	s2 =	sadd.s32 s2, s17  }
0x8e: {  	[smem:$0x3FB5] =	sst s2  }
0x8f: {  	_ = 	snop  }
0x90: {  	s2 =	sld [smem:$0x3FD0];
	(tm) =	ssettm $0x1  }
0x91: {  	s18 =	sld [smem:$0x3FFB];
	_ =	sdelay $0x3  }
0x92: {  	_ =	strace s18  }
0x93: {  	s3 =	sld [smem:$0x3FFC];
	_ =	sdelay $0x3  }
0x94: {  	_ =	strace s3  }
0x95: {  	s3 =	sld [smem:$0x3FFD];
	_ =	sdelay $0x3  }
0x96: {  	_ =	strace s3  }
0x97: {  	_ =	strace $0x8FFFFFFF  }
0x98: {  	s19 =	sld [smem:$0x3FDB];
	_ =	sdelay $0x1  }
0x99: {  	s4 =	simm.s32 $_scs_section_size  }
0x9a: {  	s5 =	simm.s32 $_size__tile_overlayer_lowered;
	s6 =	simm.s32 $_tile_overlayer_lowered  }
0x9b: {  	s22 =	simm.s32 $0x1BFF;
	s21 =	sshll.u32 s6, $0x1;
	s3 =	sadd.s32 s4, s19  }
0x9c: {  	s7 =	simm.s32 $0x0;
	s20 =	sshll.u32 s5, $0x1;
	s5 =	sadd.s32 s21, s3  }
0x9d: {  	[timem:s7], [sflag:s22] =	dma.local [hbm:s5], s20  }
0x9e: {  	_ =	swait.ge [sflag:s22], s20  }
0x9f: {  	s4 =	ssub.s32 $0x0, s20;
	[sflag:s22] =	ssyncset.done $0x0  }
0xa0: {  	[sflag:s22] =	ssyncadd.s32 s4;
	_ =	sdelay $0x1  }
0xa1: {  	s23 =	simm.s32 $0x1B8B  }
0xa2: {  	_ =	swait.ge [sflag:s23], $0x1  }
0xa3: {  	[sflag:s23] =	ssyncset.done $0x0  }
0xa4: {  	s25 =	simm.s32 $0x1B8E;
	s24 =	sld [smem:$0x3FFE];
	[sflag:s23] =	ssyncadd.s32 $0xFFFFFFFF  }
0xa5: {  	s26 =	simm.s32 $execute0_lowered;
	[smem:$0x3FD2] =	sst s25  }
0xa6: {  	s5 =	sshll.u32 s26, $0x1;
	_ =	strace $0x80000046;
	[dreg:$0x1] =	wrdreg $0xFFFFFFFF  }
0xa7: {  	s28 =	simm.s32 $_size_execute0_lowered;
	s3 =	sadd.s32 s3, s5;
	[dreg:$0x0] =	wrdreg $0x0  }
0xa8: {  	s5 =	sshll.u32 s28, $0x1;
	[dreg:$0x2] =	wrdreg s3  }
0xa9: {  	[dreg:$0x3] =	wrdreg s5  }
0xaa: {  	[dreg:$0x4] =	wrdreg $0xC0  }
0xab: {  	_ =	task [dreg:s7], $0x5FFFF  }
0xac: {  	[dreg:$0x1] =	wrdreg $0xFFFFFFFF  }
0xad: {  	[dreg:$0x0] =	wrdreg $0x60  }
0xae: {  	[dreg:$0x2] =	wrdreg s24  }
0xaf: {  	[dreg:$0x3] =	wrdreg s2  }
0xb0: {  	[dreg:$0x4] =	wrdreg $0x41000  }
0xb1: {  	[dreg:$0x5] =	wrdreg $0x9  }
0xb2: {  	_ =	task.clear_ibuf [dreg:s7], $0x6FFFF;
	_ =	strace $0x90000046  }
0xb3: {  	s29 =	simm.s32 $0x9;
	_ =	strace $0x80000048  }
0xb4: {  	_ =	swait.ge [sflag:s29], $0x1  }
0xb5: {  	[sflag:s29] =	ssyncadd.s32 $0xFFFFFFFF  }
0xb6: {  	_ =	strace $0x90000048  }
0xb7: {  	_ =	sfence  }
0xb8: {  	s30 =	sld [smem:$0x0];
	_ =	sdelay $0x2  }
0xb9: {  	s31 =	sshll.u32 s1, $0xD;
	s1 =	sshrl.u32 s1, $0x2  }
0xba: {  	s3 =	sand.u32 $0x4000, s31;
	s1 =	sadd.s32 s1, s30  }
0xbb: {  	s0 =	sor.u32 s3, s0;
	s1 =	sshll.u32 s1, $0x11  }
0xbc: {  	s0 =	sor.u32 s1, s0  }
0xbd: {  	s0 =	sadd.s32 $0x8F2B, s0  }
0xbe: {  	[sflag:s0] =	ssyncadd.remote.s32 $0x1  }
0xbf: {  	_ =	sfence.sel $0xFFFF  }
0xc0: {  	[dreg:$0x0] =	wrdreg $0xFFFFFFFF;
	(pc) =	sbr.abs _section_cstart, $3  }
0xc1: {  	[dreg:$0x1] =	wrdreg $0xFFFFFFFF  }
0xc2: {  	_ =	task.clear_ibuf [dreg:s7], $0x2FFFF;
	_ =	strace $0x9FFFFFFF  }
0xc3: {  	(tm) =	ssettm $0x7FFFFFFF  }
tec
execute0_lowered:
.L_overlay_start_1:
0x0: {  	(tag) =	ssettag $0x1  }
0x1: {  	s8 =	rddreg [dreg:$0x0]  }
0x2: {  	s12 =	rddreg [dreg:$0x1]  }
0x3: {  	s2 =	rddreg [dreg:$0x2]  }
0x4: {  	s0 =	rddreg [dreg:$0x3]  }
0x5: {  	s1 =	stileid.u32;
	s4 =	srdreg.scid  }
0x6: {  	s3 =	simm.s32 $0x0;
	s17 =	simm.s32 $0x2;
	s5 =	smul.u32 $0x3F, s1  }
0x7: {  	s18 =	simm.s32 $0x1;
	s6 =	sand.u32 $0x1, s4;
	s4 =	smul.u32 $0x5E, s1  }
0x8: {  	s19 =	simm.s32 $0x0;
	[smem:$0x7FF] =	sst s3;
	s7 =	smul.u32 $0x14000, s1  }
0x9: {  	s10 =	smul.u32 $0x50000, s1;
	s31 =	sshll.u32 s1, $0x6;
	p0 =	seq.s32 s6, $0x0  }
0xa: {  	_ =	strace $0x80000047;
	s28 =	smul.u32 $0x140000, s6;
	s6 =	ssub.s32 $0x2, s6  }
0xb: {  	s5 =	sadd.s32 $0x5E0, s5;
	s9 =	sshrl.u32 s7, $0x3;
	s29 =	sshrl.u32 s6, $0x1  }
0xc: {  	s30 =	sshrl.u32 s10, $0x2;
	s5 =	smov.u32 @p0 s4;
	s4 =	sadd.s32 $0xD400, s8  }
0xd: {  	s9 =	sadd.s32 s9, s8;
	s15 =	ssub.s32 s6, s29;
	s16 =	sadd.s32 s30, s2  }
0xe: {  	s13 =	sshll.u32 s5, $0x4;
	s5 =	sadd.s32 s7, s28;
	s6 =	sadd.s32 $0x35400, s9  }
0xf: {  	s7 =	sor.u32 $0x1C03, s31;
	s10 =	smax.u32 s15, $0x1;
	s15 =	simm.s32 $0x80  }
0x10: {  	s11 =	sadd.s32 s13, s8;
	s5 =	sshrl.u32 s5, $0x3;
	s12 =	sadd.s32 s13, s12  }
0x11: {  	s13 =	sshrl.u32 s16, $0x3;
	s16 =	simm.s32 $0x100;
	s14 =	sadd.s32 s5, s8  }
0x12: {  	s5 =	simm.s32 $0x5E;
	s8 =	sadd.s32 $0xD300, s8;
	s11 =	sadd.s32 $0x3600, s11  }
0x13: {  	s5 =	simm.s32 @!p0 $0x3F;
	s9 =	sadd.s32 $0x5D400, s14;
	s14 =	simm.s32 $0x3  }
.LBB2_1:
0x14: {  	[spmem:s13], [sflag:s7] =	dma.local [hbm:s6], $0x2800  }
0x15: {  	_ =	swait.ge [sflag:s14], $0x2800  }
0x16: {  	[sflag:s14] =	ssyncset.done $0x0  }
0x17: {  	[sflag:s14] =	ssyncadd.s32 $0xFFFFD800  }
0x18: {  	[bflag:$0x0] =	sbarrier.arrive $0xFFFF  }
0x19: {  	[tilespmem:s15], [sflag:$0x3] =	stream.linear.gather [hbm4b:s8+s3], $0x80, $0x38;
	[tilespmem:$0x18100] =	vst v63  }
0x1a: {  	_ =	swait.ge [sflag:s14], $0x80  }
0x1b: {  	[sflag:s14] =	ssyncset.done $0x0  }
0x1c: {  	[sflag:s14] =	ssyncadd.s32 $0xFFFFFF80  }
0x1d: {  	[spmem:s2] =	stream.indirect.scatter.add.f32 [tilespmem:s16], [sflag:$0x2], $0x80, s15, s15, $0xb8;
	[tilespmem:$0x18100] =	vst v63  }
0x1e: {  	_ = 	snop  }
0x1f: {  	[tilespmem:s3], [sflag:$0x3] =	stream.linear.gather [hbm4b:s12+s3], $0x80, $0x38;
	[tilespmem:$0x18100] =	vst v63  }
0x20: {  	_ =	swait.ge [sflag:s14], $0x80  }
0x21: {  	[sflag:s14] =	ssyncset.done $0x0  }
0x22: {  	[sflag:s14] =	ssyncadd.s32 $0xFFFFFF80  }
0x23: {  	_ =	swait.ge [sflag:s17], $0x4000  }
0x24: {  	[sflag:s17] =	ssyncset.done $0x0  }
0x25: {  	[sflag:s17] =	ssyncadd.s32 $0xFFFFC000  }
0x26: {  	[tilespmem:s16], [sflag:$0x1] =	stream.indirect.gather [hbm4b:s4+s15], $0x80, s3, s15, $0xb8;
	[tilespmem:$0x18100] =	vst v63  }
0x27: {  	_ = 	snop  }
0x28: {  	[tilespmem:s15], [sflag:$0x3] =	stream.linear.gather [hbm4b:s11+s3], $0x80, $0x38;
	[tilespmem:$0x18100] =	vst v63  }
0x29: {  	p0 =	sne.s32 s5, $0x1;
	_ =	swait.ge [sflag:s14], $0x80  }
.Ltmp0:
0x2a: {  	[sflag:s14] =	ssyncset.done $0x0;
	(pc) =	sbr.rel @!p0 .LBB2_3-.Ltmp0, $4  }
0x2b: {  	[sflag:s14] =	ssyncadd.s32 $0xFFFFFF80  }
0x2c: {  	_ =	swait.ge [sflag:s18], $0x4000  }
0x2d: {  	s20 =	sadd.s32 $0xFFFFFFFF, s5;
	[sflag:s18] =	ssyncset.done $0x0  }
0x2e: {  	s21 =	sadd.s32 $0x10, s11;
	s22 =	sadd.s32 $0x10, s12;
	[sflag:s18] =	ssyncadd.s32 $0xFFFFC000  }
.LBB2_2:
0x2f: {  	[spmem:s2] =	stream.indirect.scatter.add.f32 [tilespmem:s16], [sflag:$0x2], $0x80, s15, s15, $0xb8;
	[tilespmem:$0x18100] =	vst v63  }
0x30: {  	p0 =	sne.s32 s20, $0x1;
	s20 =	sadd.s32 $0xFFFFFFFF, s20  }
0x31: {  	[tilespmem:s3], [sflag:$0x3] =	stream.linear.gather [hbm4b:s22+s3], $0x80, $0x38;
	[tilespmem:$0x18100] =	vst v63  }
0x32: {  	_ =	swait.ge [sflag:s14], $0x80  }
0x33: {  	[sflag:s14] =	ssyncset.done $0x0  }
0x34: {  	[sflag:s14] =	ssyncadd.s32 $0xFFFFFF80  }
0x35: {  	_ =	swait.ge [sflag:s17], $0x4000  }
0x36: {  	[sflag:s17] =	ssyncset.done $0x0  }
0x37: {  	[sflag:s17] =	ssyncadd.s32 $0xFFFFC000  }
0x38: {  	[tilespmem:s16], [sflag:$0x1] =	stream.indirect.gather [hbm4b:s4+s15], $0x80, s3, s15, $0xb8;
	[tilespmem:$0x18100] =	vst v63  }
0x39: {  	_ = 	snop  }
0x3a: {  	[tilespmem:s15], [sflag:$0x3] =	stream.linear.gather [hbm4b:s21+s3], $0x80, $0x38;
	[tilespmem:$0x18100] =	vst v63  }
0x3b: {  	_ =	swait.ge [sflag:s14], $0x80  }
.Ltmp1:
0x3c: {  	[sflag:s14] =	ssyncset.done $0x0;
	(pc) =	sbr.rel @p0 .LBB2_2-.Ltmp1, $4  }
0x3d: {  	[sflag:s14] =	ssyncadd.s32 $0xFFFFFF80  }
0x3e: {  	_ =	swait.ge [sflag:s18], $0x4000  }
0x3f: {  	[sflag:s18] =	ssyncset.done $0x0  }
0x40: {  	s22 =	sadd.s32 $0x10, s22;
	s21 =	sadd.s32 $0x10, s21;
	[sflag:s18] =	ssyncadd.s32 $0xFFFFC000  }
.LBB2_3:
0x41: {  	[spmem:s2] =	stream.indirect.scatter.add.f32 [tilespmem:s16], [sflag:$0x2], $0x80, s15, s15, $0xb8;
	[tilespmem:$0x18100] =	vst v63  }
0x42: {  	_ =	swait.ge [sflag:s17], $0x4000  }
0x43: {  	s19 =	sadd.s32 $0x1, s19;
	[sflag:s17] =	ssyncset.done $0x0  }
0x44: {  	p0 =	sne.s32 s19, s10;
	[sflag:s17] =	ssyncadd.s32 $0xFFFFC000  }
.Ltmp2:
0x45: {  	[bflag:$0x0] =	sbarrier.arrive $0xFFFF;
	(pc) =	sbr.rel @p0 .LBB2_1-.Ltmp2, $4  }
0x46: {  	[hbm:s9], [sflag:s7] =	dma.local [spmem:s13], $0x2800  }
0x47: {  	_ =	swait.ge [sflag:s14], $0x2800  }
0x48: {  	[sflag:s14] =	ssyncset.done $0x0  }
0x49: {  	[sflag:s14] =	ssyncadd.s32 $0xFFFFD800  }
0x4a: {  	_ =	sfence.sel $0x180000  }
0x4b: {  	[bflag:$0x0] =	sbarrier.arrive $0xFFFF  }
0x4c: {  	p0 =	sne.s32 s1, $0x0;
	_ =	strace $0x90000047  }
0x4d: {  	s0 =	sadd.s32 @!p0 $0x100000, s0;
	[bflag:$0x2] =	sbarrier.arrive $0xFFFF  }
0x4e: {  	[sflag:s0] =	ssyncadd.tile.s32 @!p0 $0x1;
	_ =	shalt  }
.Lfunc_end2:
_tile_overlayer_lowered:
.L_overlay_start_2:
0x4f: {  	(tag) =	ssettag $0x2  }
0x50: {  	s0 =	rddreg [dreg:$0x0];
	s2 =	stileid.u32  }
0x51: {  	s1 =	rddreg [dreg:$0x1];
	p0 =	sne.s32 s2, $0x0  }
0x52: {  	s3 =	rddreg [dreg:$0x2];
	[bflag:$0x3] =	sbarrier.arrive $0xFFFF;
	s2 =	simm.s32 @!p0 $0x1C03  }
0x53: {  	[timem:s3], [sflag:s2] =	dma.local @!p0 [hbm:s0], s1  }
0x54: {  	s0 =	simm.s32 @!p0 $0x3  }
0x55: {  	_ =	swait.ge @!p0 [sflag:s0], s1  }
0x56: {  	s1 =	ssub.s32 @!p0 $0x0, s1;
	[sflag:s0] =	ssyncset.done @!p0 $0x0  }
0x57: {  	[sflag:s0] =	ssyncadd.s32 @!p0 s1  }
0x58: {  	[bflag:$0x3] =	sbarrier.arrive $0xFFFF  }
0x59: {  	_ =	shalt  }

</sc_bundles>
